<compile_context>
chip_gen: v7x
topology: tpu7x:2x2x1
jax: 0.10.2.dev20260603
libtpu: 0.0.44.dev20260713+nightly
codegen_flags: <defaults>
</compile_context>

<pallas_src>
import dataclasses

import jax
import jax.numpy as jnp
from jax.experimental import pallas as pl
from jax.experimental.pallas import tpu as pltpu
from jax.experimental.pallas import tpu_sc as plsc

_LANES = 16
_NW = 32


def _round_bf16(v):
    b = jax.lax.bitcast_convert_type(v, jnp.uint32)
    r = (b + jnp.uint32(0x7FFF) + ((b >> 16) & jnp.uint32(1))) \
        & jnp.uint32(0xFFFF0000)
    return jax.lax.bitcast_convert_type(r, jnp.float32)


def _pass_dir(qv, cv, q_lo, n_own, n_cand, total):
    f32 = jnp.float32

    def q_chunk(qi, tot):
        qs = q_lo + qi * _LANES
        q0v = qv[0, pl.ds(qs, _LANES)]
        q1v = qv[1, pl.ds(qs, _LANES)]
        q2v = qv[2, pl.ds(qs, _LANES)]
        q0b = _round_bf16(q0v)
        q1b = _round_bf16(q1v)
        q2b = _round_bf16(q2v)
        qn = (q0v * q0v + q1v * q1v) + q2v * q2v

        def cand_chunk(j, acc):
            c0 = cv[0, pl.ds(j * _LANES, _LANES)]
            c1 = cv[1, pl.ds(j * _LANES, _LANES)]
            c2 = cv[2, pl.ds(j * _LANES, _LANES)]
            cb0 = _round_bf16(c0)
            cb1 = _round_bf16(c1)
            cb2 = _round_bf16(c2)
            cn = (c0 * c0 + c1 * c1) + c2 * c2
            for k in range(_LANES):
                xy = (q0b * cb0[k] + q1b * cb1[k]) + q2b * cb2[k]
                d = (qn + cn[k]) - 2.0 * xy
                acc = jnp.minimum(acc, d)
            return acc

        mins = jax.lax.fori_loop(
            0, n_cand // _LANES, cand_chunk,
            jnp.full((_LANES,), jnp.inf, f32))
        return tot + jnp.maximum(mins, 0.0)

    return jax.lax.fori_loop(0, n_own // _LANES, q_chunk, total)


def kernel(x, y):
    B, N, _ = x.shape
    M = y.shape[1]
    xt = jnp.swapaxes(x, 1, 2)
    yt = jnp.swapaxes(y, 1, 2)
    nx = N // _NW
    ny = M // _NW

    mesh = plsc.VectorSubcoreMesh(core_axis_name="c", subcore_axis_name="s")
    cp = pltpu.CompilerParams()
    if "needs_layout_passes" in pltpu.CompilerParams.__dataclass_fields__:
        cp = dataclasses.replace(cp, needs_layout_passes=False)

    @pl.kernel(
        out_type=jax.ShapeDtypeStruct((2, 16, 1, _LANES), jnp.float32),
        mesh=mesh,
        compiler_params=cp,
        scratch_types=[
            pltpu.VMEM((3, N), jnp.float32),
            pltpu.VMEM((3, M), jnp.float32),
            pltpu.VMEM((1, _LANES), jnp.float32),
            pltpu.SemaphoreType.DMA,
        ],
    )
    def sc_kernel(xt_hbm, yt_hbm, o_hbm, xv, yv, ov, sem):
        core = jax.lax.axis_index("c")
        sub = jax.lax.axis_index("s")
        w = core * 16 + sub

        def per_batch(b, tot):
            pltpu.async_copy(xt_hbm.at[b], xv, sem).wait()
            pltpu.async_copy(yt_hbm.at[b], yv, sem).wait()
            tot = _pass_dir(xv, yv, w * nx, nx, M, tot)
            tot = _pass_dir(yv, xv, w * ny, ny, N, tot)
            return tot

        total = jax.lax.fori_loop(
            0, B, per_batch, jnp.zeros((_LANES,), jnp.float32))
        ov[0, :] = total
        pltpu.async_copy(ov, o_hbm.at[core, sub], sem).wait()

    psum = sc_kernel(xt, yt)
    return jnp.sum(psum) / x.shape[0]

# --- scband reference (transcript-rebuilt; emitter-appended) ---
"""Pipeline reference for scband-chamfer-loss-20203526161089 (READ-ONLY COPY).

The authoritative reference and input builder live on the scoring server;
editing this copy changes nothing except your own understanding.
"""

import jax, jax.numpy as jnp
import numpy as np


def setup_inputs(seed: int = 0) -> dict:
    key = jax.random.key(seed)
    k1, k2 = jax.random.split(key)
    x = jax.random.normal(k1, (4, 2048, 3), dtype=jnp.float32)
    y = jax.random.normal(k2, (4, 2048, 3), dtype=jnp.float32)
    return {"x": x, "y": y}


def reference(x, y):
    # Faithful translation of torch.pow(torch.cdist(x, y), 2) followed by
    # min over dim=1 (per-y nearest x) and dim=2 (per-x nearest y).
    # cdist(x, y)**2 == squared euclidean distance, computed via the
    # expansion ||xi||^2 + ||yj||^2 - 2<xi, yj>, clamped at 0 for numerics.
    num_pts = x.shape[0]
    x2 = jnp.sum(x * x, axis=-1)                # [B, N]
    y2 = jnp.sum(y * y, axis=-1)                # [B, M]
    xy = jnp.einsum('bnd,bmd->bnm', x, y)       # [B, N, M]
    dist = jnp.maximum(x2[:, :, None] + y2[:, None, :] - 2.0 * xy, 0.0)
    in_dist_out = jnp.min(dist, axis=1)         # [B, M] min over x for each y
    out_dist_in = jnp.min(dist, axis=2)         # [B, N] min over y for each x
    loss = jnp.sum(in_dist_out + out_dist_in) / num_pts
    return loss

if __name__ == "__main__":
    import jax
    _d = setup_inputs()
    print(jax.jit(kernel)(*tuple(_d.values())))

</pallas_src>

<mosaic_0001>
#map = affine_map<(d0, d1) -> (0, 0, 0)>
#map1 = affine_map<(d0, d1) -> (0, 0, 0, 0)>
module attributes {stable_mosaic.version = 14 : i64} {
  func.func @sc_kernel(%arg0: i32, %arg1: i32, %arg2: memref<4x3x2048xf32, #tpu.memory_space<hbm>>, %arg3: memref<4x3x2048xf32, #tpu.memory_space<hbm>>, %arg4: memref<2x16x1x16xf32, #tpu.memory_space<hbm>>, %arg5: memref<3x2048xf32, #tpu.memory_space<vmem>>, %arg6: memref<3x2048xf32, #tpu.memory_space<vmem>>, %arg7: memref<1x16xf32, #tpu.memory_space<vmem>>, %arg8: memref<!tpu.dma_semaphore, #tpu.memory_space<semaphore_mem>>) attributes {dimension_semantics = [#tpu.dimension_semantics<core_parallel>, #tpu.dimension_semantics<subcore_parallel>], iteration_bounds = array<i64: 2, 16>, scalar_prefetch = 0 : i64, scratch_operands = 4 : i64, tpu.core_type = #tpu.core_type<sc_vector_subcore>, window_params = [{transform_indices = #map}, {transform_indices = #map}, {transform_indices = #map1}]} {
    %mul3A = arith.constant 16 : i32
    %mul3A_0 = arith.muli %arg0, %mul3A : i32
    %add3A = arith.addi %mul3A_0, %arg1 : i32
    %broadcast_in_dim3A = arith.constant 0.000000e+00 : f32
    %broadcast_in_dim3A_1 = vector.broadcast %broadcast_in_dim3A : f32 to vector<16xf32>
    %scan3A = arith.constant 0 : i32
    %scan3A_2 = arith.constant 4 : i32
    %scan3A_3 = arith.addi %scan3A, %scan3A_2 : i32
    %scan3A_4 = arith.constant 1 : i32
    %scan3A_5 = scf.for %scan3A_24 = %scan3A to %scan3A_3 step %scan3A_4 iter_args(%scan3A_25 = %broadcast_in_dim3A_1) -> (vector<16xf32>)  : i32 {
      %dma_start3A_26 = arith.constant 0 : i32
      %dma_start3A_27 = arith.constant 0 : i32
      %dma_start3A_28 = tpu.memref_slice %arg2[%scan3A_24, %dma_start3A_26, %dma_start3A_27] : memref<4x3x2048xf32, #tpu.memory_space<hbm>> -> memref<1x3x2048xf32, #tpu.memory_space<hbm>>
      %dma_start3A_29 = tpu.memref_squeeze %dma_start3A_28 : memref<1x3x2048xf32, #tpu.memory_space<hbm>> -> memref<3x2048xf32, #tpu.memory_space<hbm>>
      %dma_start3A_30 = arith.constant 0 : i32
      %dma_start3A_31 = arith.constant 0 : i32
      %dma_start3A_32 = tpu.memref_slice %arg2[%scan3A_24, %dma_start3A_30, %dma_start3A_31] : memref<4x3x2048xf32, #tpu.memory_space<hbm>> -> memref<1x3x2048xf32, #tpu.memory_space<hbm>>
      %dma_start3A_33 = tpu.memref_squeeze %dma_start3A_32 : memref<1x3x2048xf32, #tpu.memory_space<hbm>> -> memref<3x2048xf32, #tpu.memory_space<hbm>>
      tpu.enqueue_dma source(%dma_start3A_33 : memref<3x2048xf32, #tpu.memory_space<hbm>>) target(%arg5 : memref<3x2048xf32, #tpu.memory_space<vmem>>) target_semaphore(%arg8 : memref<!tpu.dma_semaphore, #tpu.memory_space<semaphore_mem>>)
      %dma_wait3A_34 = arith.constant 0 : i32
      %dma_wait3A_35 = arith.constant 0 : i32
      %dma_wait3A_36 = tpu.memref_slice %arg2[%scan3A_24, %dma_wait3A_34, %dma_wait3A_35] : memref<4x3x2048xf32, #tpu.memory_space<hbm>> -> memref<1x3x2048xf32, #tpu.memory_space<hbm>>
      %dma_wait3A_37 = tpu.memref_squeeze %dma_wait3A_36 : memref<1x3x2048xf32, #tpu.memory_space<hbm>> -> memref<3x2048xf32, #tpu.memory_space<hbm>>
      %dma_wait3A_38 = arith.constant 0 : i32
      %dma_wait3A_39 = arith.constant 0 : i32
      %dma_wait3A_40 = tpu.memref_slice %arg2[%scan3A_24, %dma_wait3A_38, %dma_wait3A_39] : memref<4x3x2048xf32, #tpu.memory_space<hbm>> -> memref<1x3x2048xf32, #tpu.memory_space<hbm>>
      %dma_wait3A_41 = tpu.memref_squeeze %dma_wait3A_40 : memref<1x3x2048xf32, #tpu.memory_space<hbm>> -> memref<3x2048xf32, #tpu.memory_space<hbm>>
      tpu.wait_dma2 semaphore(%arg8 : memref<!tpu.dma_semaphore, #tpu.memory_space<semaphore_mem>>) src(%dma_wait3A_41 : memref<3x2048xf32, #tpu.memory_space<hbm>>) dst(%arg5 : memref<3x2048xf32, #tpu.memory_space<vmem>>)
      %dma_start3A_42 = arith.constant 0 : i32
      %dma_start3A_43 = arith.constant 0 : i32
      %dma_start3A_44 = tpu.memref_slice %arg3[%scan3A_24, %dma_start3A_42, %dma_start3A_43] : memref<4x3x2048xf32, #tpu.memory_space<hbm>> -> memref<1x3x2048xf32, #tpu.memory_space<hbm>>
      %dma_start3A_45 = tpu.memref_squeeze %dma_start3A_44 : memref<1x3x2048xf32, #tpu.memory_space<hbm>> -> memref<3x2048xf32, #tpu.memory_space<hbm>>
      %dma_start3A_46 = arith.constant 0 : i32
      %dma_start3A_47 = arith.constant 0 : i32
      %dma_start3A_48 = tpu.memref_slice %arg3[%scan3A_24, %dma_start3A_46, %dma_start3A_47] : memref<4x3x2048xf32, #tpu.memory_space<hbm>> -> memref<1x3x2048xf32, #tpu.memory_space<hbm>>
      %dma_start3A_49 = tpu.memref_squeeze %dma_start3A_48 : memref<1x3x2048xf32, #tpu.memory_space<hbm>> -> memref<3x2048xf32, #tpu.memory_space<hbm>>
      tpu.enqueue_dma source(%dma_start3A_49 : memref<3x2048xf32, #tpu.memory_space<hbm>>) target(%arg6 : memref<3x2048xf32, #tpu.memory_space<vmem>>) target_semaphore(%arg8 : memref<!tpu.dma_semaphore, #tpu.memory_space<semaphore_mem>>)
      %dma_wait3A_50 = arith.constant 0 : i32
      %dma_wait3A_51 = arith.constant 0 : i32
      %dma_wait3A_52 = tpu.memref_slice %arg3[%scan3A_24, %dma_wait3A_50, %dma_wait3A_51] : memref<4x3x2048xf32, #tpu.memory_space<hbm>> -> memref<1x3x2048xf32, #tpu.memory_space<hbm>>
      %dma_wait3A_53 = tpu.memref_squeeze %dma_wait3A_52 : memref<1x3x2048xf32, #tpu.memory_space<hbm>> -> memref<3x2048xf32, #tpu.memory_space<hbm>>
      %dma_wait3A_54 = arith.constant 0 : i32
      %dma_wait3A_55 = arith.constant 0 : i32
      %dma_wait3A_56 = tpu.memref_slice %arg3[%scan3A_24, %dma_wait3A_54, %dma_wait3A_55] : memref<4x3x2048xf32, #tpu.memory_space<hbm>> -> memref<1x3x2048xf32, #tpu.memory_space<hbm>>
      %dma_wait3A_57 = tpu.memref_squeeze %dma_wait3A_56 : memref<1x3x2048xf32, #tpu.memory_space<hbm>> -> memref<3x2048xf32, #tpu.memory_space<hbm>>
      tpu.wait_dma2 semaphore(%arg8 : memref<!tpu.dma_semaphore, #tpu.memory_space<semaphore_mem>>) src(%dma_wait3A_57 : memref<3x2048xf32, #tpu.memory_space<hbm>>) dst(%arg6 : memref<3x2048xf32, #tpu.memory_space<vmem>>)
      %mul3A_58 = arith.constant 64 : i32
      %mul3A_59 = arith.muli %add3A, %mul3A_58 : i32
      %scan3A_60 = arith.constant 0 : i32
      %scan3A_61 = arith.constant 4 : i32
      %scan3A_62 = arith.addi %scan3A_60, %scan3A_61 : i32
      %scan3A_63 = arith.constant 1 : i32
      %scan3A_64 = scf.for %scan3A_74 = %scan3A_60 to %scan3A_62 step %scan3A_63 iter_args(%scan3A_75 = %scan3A_25) -> (vector<16xf32>)  : i32 {
        %mul3A_76 = arith.constant 16 : i32
        %mul3A_77 = arith.muli %scan3A_74, %mul3A_76 : i32
        %add3A_78 = arith.addi %mul3A_59, %mul3A_77 : i32
        %get3A = arith.constant 0 : i32
        %get3A_79 = arith.index_cast %get3A : i32 to index
        %get3A_80 = arith.index_cast %add3A_78 : i32 to index
        %get3A_81 = tpu.vector_load %arg5[%get3A_79, %get3A_80] {strides = array<i32>} : memref<3x2048xf32, #tpu.memory_space<vmem>>, vector<16xf32>,
        %get3A_82 = arith.constant 1 : i32
        %get3A_83 = arith.index_cast %get3A_82 : i32 to index
        %get3A_84 = arith.index_cast %add3A_78 : i32 to index
        %get3A_85 = tpu.vector_load %arg5[%get3A_83, %get3A_84] {strides = array<i32>} : memref<3x2048xf32, #tpu.memory_space<vmem>>, vector<16xf32>,
        %get3A_86 = arith.constant 2 : i32
        %get3A_87 = arith.index_cast %get3A_86 : i32 to index
        %get3A_88 = arith.index_cast %add3A_78 : i32 to index
        %get3A_89 = tpu.vector_load %arg5[%get3A_87, %get3A_88] {strides = array<i32>} : memref<3x2048xf32, #tpu.memory_space<vmem>>, vector<16xf32>,
        %bitcast_convert_type3A = tpu.bitcast %get3A_81 : vector<16xf32> -> vector<16xi32>
        %add3A_90 = arith.constant 32767 : i32
        %add3A_91 = vector.broadcast %add3A_90 : i32 to vector<16xi32>
        %add3A_92 = arith.addi %bitcast_convert_type3A, %add3A_91 : vector<16xi32>
        %shift_right_logical3A = arith.constant 16 : i32
        %shift_right_logical3A_93 = vector.broadcast %shift_right_logical3A : i32 to vector<16xi32>
        %shift_right_logical3A_94 = arith.shrui %bitcast_convert_type3A, %shift_right_logical3A_93 : vector<16xi32>
        %and3A = arith.constant 1 : i32
        %and3A_95 = vector.broadcast %and3A : i32 to vector<16xi32>
        %and3A_96 = arith.andi %shift_right_logical3A_94, %and3A_95 : vector<16xi32>
        %add3A_97 = arith.addi %add3A_92, %and3A_96 : vector<16xi32>
        %and3A_98 = arith.constant -65536 : i32
        %and3A_99 = vector.broadcast %and3A_98 : i32 to vector<16xi32>
        %and3A_100 = arith.andi %add3A_97, %and3A_99 : vector<16xi32>
        %bitcast_convert_type3A_101 = tpu.bitcast %and3A_100 : vector<16xi32> -> vector<16xf32>
        %bitcast_convert_type3A_102 = tpu.bitcast %get3A_85 : vector<16xf32> -> vector<16xi32>
        %add3A_103 = arith.constant 32767 : i32
        %add3A_104 = vector.broadcast %add3A_103 : i32 to vector<16xi32>
        %add3A_105 = arith.addi %bitcast_convert_type3A_102, %add3A_104 : vector<16xi32>
        %shift_right_logical3A_106 = arith.constant 16 : i32
        %shift_right_logical3A_107 = vector.broadcast %shift_right_logical3A_106 : i32 to vector<16xi32>
        %shift_right_logical3A_108 = arith.shrui %bitcast_convert_type3A_102, %shift_right_logical3A_107 : vector<16xi32>
        %and3A_109 = arith.constant 1 : i32
        %and3A_110 = vector.broadcast %and3A_109 : i32 to vector<16xi32>
        %and3A_111 = arith.andi %shift_right_logical3A_108, %and3A_110 : vector<16xi32>
        %add3A_112 = arith.addi %add3A_105, %and3A_111 : vector<16xi32>
        %and3A_113 = arith.constant -65536 : i32
        %and3A_114 = vector.broadcast %and3A_113 : i32 to vector<16xi32>
        %and3A_115 = arith.andi %add3A_112, %and3A_114 : vector<16xi32>
        %bitcast_convert_type3A_116 = tpu.bitcast %and3A_115 : vector<16xi32> -> vector<16xf32>
        %bitcast_convert_type3A_117 = tpu.bitcast %get3A_89 : vector<16xf32> -> vector<16xi32>
        %add3A_118 = arith.constant 32767 : i32
        %add3A_119 = vector.broadcast %add3A_118 : i32 to vector<16xi32>
        %add3A_120 = arith.addi %bitcast_convert_type3A_117, %add3A_119 : vector<16xi32>
        %shift_right_logical3A_121 = arith.constant 16 : i32
        %shift_right_logical3A_122 = vector.broadcast %shift_right_logical3A_121 : i32 to vector<16xi32>
        %shift_right_logical3A_123 = arith.shrui %bitcast_convert_type3A_117, %shift_right_logical3A_122 : vector<16xi32>
        %and3A_124 = arith.constant 1 : i32
        %and3A_125 = vector.broadcast %and3A_124 : i32 to vector<16xi32>
        %and3A_126 = arith.andi %shift_right_logical3A_123, %and3A_125 : vector<16xi32>
        %add3A_127 = arith.addi %add3A_120, %and3A_126 : vector<16xi32>
        %and3A_128 = arith.constant -65536 : i32
        %and3A_129 = vector.broadcast %and3A_128 : i32 to vector<16xi32>
        %and3A_130 = arith.andi %add3A_127, %and3A_129 : vector<16xi32>
        %bitcast_convert_type3A_131 = tpu.bitcast %and3A_130 : vector<16xi32> -> vector<16xf32>
        %mul3A_132 = arith.mulf %get3A_81, %get3A_81 : vector<16xf32>
        %mul3A_133 = arith.mulf %get3A_85, %get3A_85 : vector<16xf32>
        %add3A_134 = arith.addf %mul3A_132, %mul3A_133 : vector<16xf32>
        %mul3A_135 = arith.mulf %get3A_89, %get3A_89 : vector<16xf32>
        %add3A_136 = arith.addf %add3A_134, %mul3A_135 : vector<16xf32>
        %broadcast_in_dim3A_137 = arith.constant 0x7F800000 : f32
        %broadcast_in_dim3A_138 = vector.broadcast %broadcast_in_dim3A_137 : f32 to vector<16xf32>
        %scan3A_139 = arith.constant 0 : i32
        %scan3A_140 = arith.constant 128 : i32
        %scan3A_141 = arith.addi %scan3A_139, %scan3A_140 : i32
        %scan3A_142 = arith.constant 1 : i32
        %scan3A_143 = scf.for %scan3A_148 = %scan3A_139 to %scan3A_141 step %scan3A_142 iter_args(%scan3A_149 = %broadcast_in_dim3A_138) -> (vector<16xf32>)  : i32 {
          %mul3A_150 = arith.constant 16 : i32
          %mul3A_151 = arith.muli %scan3A_148, %mul3A_150 : i32
          %get3A_152 = arith.constant 0 : i32
          %get3A_153 = arith.index_cast %get3A_152 : i32 to index
          %get3A_154 = arith.index_cast %mul3A_151 : i32 to index
          %get3A_155 = tpu.vector_load %arg6[%get3A_153, %get3A_154] {strides = array<i32>} : memref<3x2048xf32, #tpu.memory_space<vmem>>, vector<16xf32>,
          %mul3A_156 = arith.constant 16 : i32
          %mul3A_157 = arith.muli %scan3A_148, %mul3A_156 : i32
          %get3A_158 = arith.constant 1 : i32
          %get3A_159 = arith.index_cast %get3A_158 : i32 to index
          %get3A_160 = arith.index_cast %mul3A_157 : i32 to index
          %get3A_161 = tpu.vector_load %arg6[%get3A_159, %get3A_160] {strides = array<i32>} : memref<3x2048xf32, #tpu.memory_space<vmem>>, vector<16xf32>,
          %mul3A_162 = arith.constant 16 : i32
          %mul3A_163 = arith.muli %scan3A_148, %mul3A_162 : i32
          %get3A_164 = arith.constant 2 : i32
          %get3A_165 = arith.index_cast %get3A_164 : i32 to index
          %get3A_166 = arith.index_cast %mul3A_163 : i32 to index
          %get3A_167 = tpu.vector_load %arg6[%get3A_165, %get3A_166] {strides = array<i32>} : memref<3x2048xf32, #tpu.memory_space<vmem>>, vector<16xf32>,
          %bitcast_convert_type3A_168 = tpu.bitcast %get3A_155 : vector<16xf32> -> vector<16xi32>
          %add3A_169 = arith.constant 32767 : i32
          %add3A_170 = vector.broadcast %add3A_169 : i32 to vector<16xi32>
          %add3A_171 = arith.addi %bitcast_convert_type3A_168, %add3A_170 : vector<16xi32>
          %shift_right_logical3A_172 = arith.constant 16 : i32
          %shift_right_logical3A_173 = vector.broadcast %shift_right_logical3A_172 : i32 to vector<16xi32>
          %shift_right_logical3A_174 = arith.shrui %bitcast_convert_type3A_168, %shift_right_logical3A_173 : vector<16xi32>
          %and3A_175 = arith.constant 1 : i32
          %and3A_176 = vector.broadcast %and3A_175 : i32 to vector<16xi32>
          %and3A_177 = arith.andi %shift_right_logical3A_174, %and3A_176 : vector<16xi32>
          %add3A_178 = arith.addi %add3A_171, %and3A_177 : vector<16xi32>
          %and3A_179 = arith.constant -65536 : i32
          %and3A_180 = vector.broadcast %and3A_179 : i32 to vector<16xi32>
          %and3A_181 = arith.andi %add3A_178, %and3A_180 : vector<16xi32>
          %bitcast_convert_type3A_182 = tpu.bitcast %and3A_181 : vector<16xi32> -> vector<16xf32>
          %bitcast_convert_type3A_183 = tpu.bitcast %get3A_161 : vector<16xf32> -> vector<16xi32>
          %add3A_184 = arith.constant 32767 : i32
          %add3A_185 = vector.broadcast %add3A_184 : i32 to vector<16xi32>
          %add3A_186 = arith.addi %bitcast_convert_type3A_183, %add3A_185 : vector<16xi32>
          %shift_right_logical3A_187 = arith.constant 16 : i32
          %shift_right_logical3A_188 = vector.broadcast %shift_right_logical3A_187 : i32 to vector<16xi32>
          %shift_right_logical3A_189 = arith.shrui %bitcast_convert_type3A_183, %shift_right_logical3A_188 : vector<16xi32>
          %and3A_190 = arith.constant 1 : i32
          %and3A_191 = vector.broadcast %and3A_190 : i32 to vector<16xi32>
          %and3A_192 = arith.andi %shift_right_logical3A_189, %and3A_191 : vector<16xi32>
          %add3A_193 = arith.addi %add3A_186, %and3A_192 : vector<16xi32>
          %and3A_194 = arith.constant -65536 : i32
          %and3A_195 = vector.broadcast %and3A_194 : i32 to vector<16xi32>
          %and3A_196 = arith.andi %add3A_193, %and3A_195 : vector<16xi32>
          %bitcast_convert_type3A_197 = tpu.bitcast %and3A_196 : vector<16xi32> -> vector<16xf32>
          %bitcast_convert_type3A_198 = tpu.bitcast %get3A_167 : vector<16xf32> -> vector<16xi32>
          %add3A_199 = arith.constant 32767 : i32
          %add3A_200 = vector.broadcast %add3A_199 : i32 to vector<16xi32>
          %add3A_201 = arith.addi %bitcast_convert_type3A_198, %add3A_200 : vector<16xi32>
          %shift_right_logical3A_202 = arith.constant 16 : i32
          %shift_right_logical3A_203 = vector.broadcast %shift_right_logical3A_202 : i32 to vector<16xi32>
          %shift_right_logical3A_204 = arith.shrui %bitcast_convert_type3A_198, %shift_right_logical3A_203 : vector<16xi32>
          %and3A_205 = arith.constant 1 : i32
          %and3A_206 = vector.broadcast %and3A_205 : i32 to vector<16xi32>
          %and3A_207 = arith.andi %shift_right_logical3A_204, %and3A_206 : vector<16xi32>
          %add3A_208 = arith.addi %add3A_201, %and3A_207 : vector<16xi32>
          %and3A_209 = arith.constant -65536 : i32
          %and3A_210 = vector.broadcast %and3A_209 : i32 to vector<16xi32>
          %and3A_211 = arith.andi %add3A_208, %and3A_210 : vector<16xi32>
          %bitcast_convert_type3A_212 = tpu.bitcast %and3A_211 : vector<16xi32> -> vector<16xf32>
          %mul3A_213 = arith.mulf %get3A_155, %get3A_155 : vector<16xf32>
          %mul3A_214 = arith.mulf %get3A_161, %get3A_161 : vector<16xf32>
          %add3A_215 = arith.addf %mul3A_213, %mul3A_214 : vector<16xf32>
          %mul3A_216 = arith.mulf %get3A_167, %get3A_167 : vector<16xf32>
          %add3A_217 = arith.addf %add3A_215, %mul3A_216 : vector<16xf32>
          %slice3A = vector.extract_strided_slice %bitcast_convert_type3A_182 {offsets = [0], sizes = [1], strides = [1]} : vector<16xf32> to vector<1xf32>
          %squeeze3A = vector.extract %slice3A[0] : f32 from vector<1xf32>
          %mul3A_218 = vector.broadcast %squeeze3A : f32 to vector<16xf32>
          %mul3A_219 = arith.mulf %bitcast_convert_type3A_101, %mul3A_218 : vector<16xf32>
          %slice3A_220 = vector.extract_strided_slice %bitcast_convert_type3A_197 {offsets = [0], sizes = [1], strides = [1]} : vector<16xf32> to vector<1xf32>
          %squeeze3A_221 = vector.extract %slice3A_220[0] : f32 from vector<1xf32>
          %mul3A_222 = vector.broadcast %squeeze3A_221 : f32 to vector<16xf32>
          %mul3A_223 = arith.mulf %bitcast_convert_type3A_116, %mul3A_222 : vector<16xf32>
          %add3A_224 = arith.addf %mul3A_219, %mul3A_223 : vector<16xf32>
          %slice3A_225 = vector.extract_strided_slice %bitcast_convert_type3A_212 {offsets = [0], sizes = [1], strides = [1]} : vector<16xf32> to vector<1xf32>
          %squeeze3A_226 = vector.extract %slice3A_225[0] : f32 from vector<1xf32>
          %mul3A_227 = vector.broadcast %squeeze3A_226 : f32 to vector<16xf32>
          %mul3A_228 = arith.mulf %bitcast_convert_type3A_131, %mul3A_227 : vector<16xf32>
          %add3A_229 = arith.addf %add3A_224, %mul3A_228 : vector<16xf32>
          %slice3A_230 = vector.extract_strided_slice %add3A_217 {offsets = [0], sizes = [1], strides = [1]} : vector<16xf32> to vector<1xf32>
          %squeeze3A_231 = vector.extract %slice3A_230[0] : f32 from vector<1xf32>
          %add3A_232 = vector.broadcast %squeeze3A_231 : f32 to vector<16xf32>
          %add3A_233 = arith.addf %add3A_136, %add3A_232 : vector<16xf32>
          %mul3A_234 = arith.constant 2.000000e+00 : f32
          %mul3A_235 = vector.broadcast %mul3A_234 : f32 to vector<16xf32>
          %mul3A_236 = arith.mulf %mul3A_235, %add3A_229 : vector<16xf32>
          %sub3A = arith.subf %add3A_233, %mul3A_236 : vector<16xf32>
          %min3A = arith.minimumf %scan3A_149, %sub3A : vector<16xf32>
          %slice3A_237 = vector.extract_strided_slice %bitcast_convert_type3A_182 {offsets = [1], sizes = [1], strides = [1]} : vector<16xf32> to vector<1xf32>
          %squeeze3A_238 = vector.extract %slice3A_237[0] : f32 from vector<1xf32>
          %mul3A_239 = vector.broadcast %squeeze3A_238 : f32 to vector<16xf32>
          %mul3A_240 = arith.mulf %bitcast_convert_type3A_101, %mul3A_239 : vector<16xf32>
          %slice3A_241 = vector.extract_strided_slice %bitcast_convert_type3A_197 {offsets = [1], sizes = [1], strides = [1]} : vector<16xf32> to vector<1xf32>
          %squeeze3A_242 = vector.extract %slice3A_241[0] : f32 from vector<1xf32>
          %mul3A_243 = vector.broadcast %squeeze3A_242 : f32 to vector<16xf32>
          %mul3A_244 = arith.mulf %bitcast_convert_type3A_116, %mul3A_243 : vector<16xf32>
          %add3A_245 = arith.addf %mul3A_240, %mul3A_244 : vector<16xf32>
          %slice3A_246 = vector.extract_strided_slice %bitcast_convert_type3A_212 {offsets = [1], sizes = [1], strides = [1]} : vector<16xf32> to vector<1xf32>
          %squeeze3A_247 = vector.extract %slice3A_246[0] : f32 from vector<1xf32>
          %mul3A_248 = vector.broadcast %squeeze3A_247 : f32 to vector<16xf32>
          %mul3A_249 = arith.mulf %bitcast_convert_type3A_131, %mul3A_248 : vector<16xf32>
          %add3A_250 = arith.addf %add3A_245, %mul3A_249 : vector<16xf32>
          %slice3A_251 = vector.extract_strided_slice %add3A_217 {offsets = [1], sizes = [1], strides = [1]} : vector<16xf32> to vector<1xf32>
          %squeeze3A_252 = vector.extract %slice3A_251[0] : f32 from vector<1xf32>
          %add3A_253 = vector.broadcast %squeeze3A_252 : f32 to vector<16xf32>
          %add3A_254 = arith.addf %add3A_136, %add3A_253 : vector<16xf32>
          %mul3A_255 = arith.constant 2.000000e+00 : f32
          %mul3A_256 = vector.broadcast %mul3A_255 : f32 to vector<16xf32>
          %mul3A_257 = arith.mulf %mul3A_256, %add3A_250 : vector<16xf32>
          %sub3A_258 = arith.subf %add3A_254, %mul3A_257 : vector<16xf32>
          %min3A_259 = arith.minimumf %min3A, %sub3A_258 : vector<16xf32>
          %slice3A_260 = vector.extract_strided_slice %bitcast_convert_type3A_182 {offsets = [2], sizes = [1], strides = [1]} : vector<16xf32> to vector<1xf32>
          %squeeze3A_261 = vector.extract %slice3A_260[0] : f32 from vector<1xf32>
          %mul3A_262 = vector.broadcast %squeeze3A_261 : f32 to vector<16xf32>
          %mul3A_263 = arith.mulf %bitcast_convert_type3A_101, %mul3A_262 : vector<16xf32>
          %slice3A_264 = vector.extract_strided_slice %bitcast_convert_type3A_197 {offsets = [2], sizes = [1], strides = [1]} : vector<16xf32> to vector<1xf32>
          %squeeze3A_265 = vector.extract %slice3A_264[0] : f32 from vector<1xf32>
          %mul3A_266 = vector.broadcast %squeeze3A_265 : f32 to vector<16xf32>
          %mul3A_267 = arith.mulf %bitcast_convert_type3A_116, %mul3A_266 : vector<16xf32>
          %add3A_268 = arith.addf %mul3A_263, %mul3A_267 : vector<16xf32>
          %slice3A_269 = vector.extract_strided_slice %bitcast_convert_type3A_212 {offsets = [2], sizes = [1], strides = [1]} : vector<16xf32> to vector<1xf32>
          %squeeze3A_270 = vector.extract %slice3A_269[0] : f32 from vector<1xf32>
          %mul3A_271 = vector.broadcast %squeeze3A_270 : f32 to vector<16xf32>
          %mul3A_272 = arith.mulf %bitcast_convert_type3A_131, %mul3A_271 : vector<16xf32>
          %add3A_273 = arith.addf %add3A_268, %mul3A_272 : vector<16xf32>
          %slice3A_274 = vector.extract_strided_slice %add3A_217 {offsets = [2], sizes = [1], strides = [1]} : vector<16xf32> to vector<1xf32>
          %squeeze3A_275 = vector.extract %slice3A_274[0] : f32 from vector<1xf32>
          %add3A_276 = vector.broadcast %squeeze3A_275 : f32 to vector<16xf32>
          %add3A_277 = arith.addf %add3A_136, %add3A_276 : vector<16xf32>
          %mul3A_278 = arith.constant 2.000000e+00 : f32
          %mul3A_279 = vector.broadcast %mul3A_278 : f32 to vector<16xf32>
          %mul3A_280 = arith.mulf %mul3A_279, %add3A_273 : vector<16xf32>
          %sub3A_281 = arith.subf %add3A_277, %mul3A_280 : vector<16xf32>
          %min3A_282 = arith.minimumf %min3A_259, %sub3A_281 : vector<16xf32>
          %slice3A_283 = vector.extract_strided_slice %bitcast_convert_type3A_182 {offsets = [3], sizes = [1], strides = [1]} : vector<16xf32> to vector<1xf32>
          %squeeze3A_284 = vector.extract %slice3A_283[0] : f32 from vector<1xf32>
          %mul3A_285 = vector.broadcast %squeeze3A_284 : f32 to vector<16xf32>
          %mul3A_286 = arith.mulf %bitcast_convert_type3A_101, %mul3A_285 : vector<16xf32>
          %slice3A_287 = vector.extract_strided_slice %bitcast_convert_type3A_197 {offsets = [3], sizes = [1], strides = [1]} : vector<16xf32> to vector<1xf32>
          %squeeze3A_288 = vector.extract %slice3A_287[0] : f32 from vector<1xf32>
          %mul3A_289 = vector.broadcast %squeeze3A_288 : f32 to vector<16xf32>
          %mul3A_290 = arith.mulf %bitcast_convert_type3A_116, %mul3A_289 : vector<16xf32>
          %add3A_291 = arith.addf %mul3A_286, %mul3A_290 : vector<16xf32>
          %slice3A_292 = vector.extract_strided_slice %bitcast_convert_type3A_212 {offsets = [3], sizes = [1], strides = [1]} : vector<16xf32> to vector<1xf32>
          %squeeze3A_293 = vector.extract %slice3A_292[0] : f32 from vector<1xf32>
          %mul3A_294 = vector.broadcast %squeeze3A_293 : f32 to vector<16xf32>
          %mul3A_295 = arith.mulf %bitcast_convert_type3A_131, %mul3A_294 : vector<16xf32>
          %add3A_296 = arith.addf %add3A_291, %mul3A_295 : vector<16xf32>
          %slice3A_297 = vector.extract_strided_slice %add3A_217 {offsets = [3], sizes = [1], strides = [1]} : vector<16xf32> to vector<1xf32>
          %squeeze3A_298 = vector.extract %slice3A_297[0] : f32 from vector<1xf32>
          %add3A_299 = vector.broadcast %squeeze3A_298 : f32 to vector<16xf32>
          %add3A_300 = arith.addf %add3A_136, %add3A_299 : vector<16xf32>
          %mul3A_301 = arith.constant 2.000000e+00 : f32
          %mul3A_302 = vector.broadcast %mul3A_301 : f32 to vector<16xf32>
          %mul3A_303 = arith.mulf %mul3A_302, %add3A_296 : vector<16xf32>
          %sub3A_304 = arith.subf %add3A_300, %mul3A_303 : vector<16xf32>
          %min3A_305 = arith.minimumf %min3A_282, %sub3A_304 : vector<16xf32>
          %slice3A_306 = vector.extract_strided_slice %bitcast_convert_type3A_182 {offsets = [4], sizes = [1], strides = [1]} : vector<16xf32> to vector<1xf32>
          %squeeze3A_307 = vector.extract %slice3A_306[0] : f32 from vector<1xf32>
          %mul3A_308 = vector.broadcast %squeeze3A_307 : f32 to vector<16xf32>
          %mul3A_309 = arith.mulf %bitcast_convert_type3A_101, %mul3A_308 : vector<16xf32>
          %slice3A_310 = vector.extract_strided_slice %bitcast_convert_type3A_197 {offsets = [4], sizes = [1], strides = [1]} : vector<16xf32> to vector<1xf32>
          %squeeze3A_311 = vector.extract %slice3A_310[0] : f32 from vector<1xf32>
          %mul3A_312 = vector.broadcast %squeeze3A_311 : f32 to vector<16xf32>
          %mul3A_313 = arith.mulf %bitcast_convert_type3A_116, %mul3A_312 : vector<16xf32>
          %add3A_314 = arith.addf %mul3A_309, %mul3A_313 : vector<16xf32>
          %slice3A_315 = vector.extract_strided_slice %bitcast_convert_type3A_212 {offsets = [4], sizes = [1], strides = [1]} : vector<16xf32> to vector<1xf32>
          %squeeze3A_316 = vector.extract %slice3A_315[0] : f32 from vector<1xf32>
          %mul3A_317 = vector.broadcast %squeeze3A_316 : f32 to vector<16xf32>
          %mul3A_318 = arith.mulf %bitcast_convert_type3A_131, %mul3A_317 : vector<16xf32>
          %add3A_319 = arith.addf %add3A_314, %mul3A_318 : vector<16xf32>
          %slice3A_320 = vector.extract_strided_slice %add3A_217 {offsets = [4], sizes = [1], strides = [1]} : vector<16xf32> to vector<1xf32>
          %squeeze3A_321 = vector.extract %slice3A_320[0] : f32 from vector<1xf32>
          %add3A_322 = vector.broadcast %squeeze3A_321 : f32 to vector<16xf32>
          %add3A_323 = arith.addf %add3A_136, %add3A_322 : vector<16xf32>
          %mul3A_324 = arith.constant 2.000000e+00 : f32
          %mul3A_325 = vector.broadcast %mul3A_324 : f32 to vector<16xf32>
          %mul3A_326 = arith.mulf %mul3A_325, %add3A_319 : vector<16xf32>
          %sub3A_327 = arith.subf %add3A_323, %mul3A_326 : vector<16xf32>
          %min3A_328 = arith.minimumf %min3A_305, %sub3A_327 : vector<16xf32>
          %slice3A_329 = vector.extract_strided_slice %bitcast_convert_type3A_182 {offsets = [5], sizes = [1], strides = [1]} : vector<16xf32> to vector<1xf32>
          %squeeze3A_330 = vector.extract %slice3A_329[0] : f32 from vector<1xf32>
          %mul3A_331 = vector.broadcast %squeeze3A_330 : f32 to vector<16xf32>
          %mul3A_332 = arith.mulf %bitcast_convert_type3A_101, %mul3A_331 : vector<16xf32>
          %slice3A_333 = vector.extract_strided_slice %bitcast_convert_type3A_197 {offsets = [5], sizes = [1], strides = [1]} : vector<16xf32> to vector<1xf32>
          %squeeze3A_334 = vector.extract %slice3A_333[0] : f32 from vector<1xf32>
          %mul3A_335 = vector.broadcast %squeeze3A_334 : f32 to vector<16xf32>
          %mul3A_336 = arith.mulf %bitcast_convert_type3A_116, %mul3A_335 : vector<16xf32>
          %add3A_337 = arith.addf %mul3A_332, %mul3A_336 : vector<16xf32>
          %slice3A_338 = vector.extract_strided_slice %bitcast_convert_type3A_212 {offsets = [5], sizes = [1], strides = [1]} : vector<16xf32> to vector<1xf32>
          %squeeze3A_339 = vector.extract %slice3A_338[0] : f32 from vector<1xf32>
          %mul3A_340 = vector.broadcast %squeeze3A_339 : f32 to vector<16xf32>
          %mul3A_341 = arith.mulf %bitcast_convert_type3A_131, %mul3A_340 : vector<16xf32>
          %add3A_342 = arith.addf %add3A_337, %mul3A_341 : vector<16xf32>
          %slice3A_343 = vector.extract_strided_slice %add3A_217 {offsets = [5], sizes = [1], strides = [1]} : vector<16xf32> to vector<1xf32>
          %squeeze3A_344 = vector.extract %slice3A_343[0] : f32 from vector<1xf32>
          %add3A_345 = vector.broadcast %squeeze3A_344 : f32 to vector<16xf32>
          %add3A_346 = arith.addf %add3A_136, %add3A_345 : vector<16xf32>
          %mul3A_347 = arith.constant 2.000000e+00 : f32
          %mul3A_348 = vector.broadcast %mul3A_347 : f32 to vector<16xf32>
          %mul3A_349 = arith.mulf %mul3A_348, %add3A_342 : vector<16xf32>
          %sub3A_350 = arith.subf %add3A_346, %mul3A_349 : vector<16xf32>
          %min3A_351 = arith.minimumf %min3A_328, %sub3A_350 : vector<16xf32>
          %slice3A_352 = vector.extract_strided_slice %bitcast_convert_type3A_182 {offsets = [6], sizes = [1], strides = [1]} : vector<16xf32> to vector<1xf32>
          %squeeze3A_353 = vector.extract %slice3A_352[0] : f32 from vector<1xf32>
          %mul3A_354 = vector.broadcast %squeeze3A_353 : f32 to vector<16xf32>
          %mul3A_355 = arith.mulf %bitcast_convert_type3A_101, %mul3A_354 : vector<16xf32>
          %slice3A_356 = vector.extract_strided_slice %bitcast_convert_type3A_197 {offsets = [6], sizes = [1], strides = [1]} : vector<16xf32> to vector<1xf32>
          %squeeze3A_357 = vector.extract %slice3A_356[0] : f32 from vector<1xf32>
          %mul3A_358 = vector.broadcast %squeeze3A_357 : f32 to vector<16xf32>
          %mul3A_359 = arith.mulf %bitcast_convert_type3A_116, %mul3A_358 : vector<16xf32>
          %add3A_360 = arith.addf %mul3A_355, %mul3A_359 : vector<16xf32>
          %slice3A_361 = vector.extract_strided_slice %bitcast_convert_type3A_212 {offsets = [6], sizes = [1], strides = [1]} : vector<16xf32> to vector<1xf32>
          %squeeze3A_362 = vector.extract %slice3A_361[0] : f32 from vector<1xf32>
          %mul3A_363 = vector.broadcast %squeeze3A_362 : f32 to vector<16xf32>
          %mul3A_364 = arith.mulf %bitcast_convert_type3A_131, %mul3A_363 : vector<16xf32>
          %add3A_365 = arith.addf %add3A_360, %mul3A_364 : vector<16xf32>
          %slice3A_366 = vector.extract_strided_slice %add3A_217 {offsets = [6], sizes = [1], strides = [1]} : vector<16xf32> to vector<1xf32>
          %squeeze3A_367 = vector.extract %slice3A_366[0] : f32 from vector<1xf32>
          %add3A_368 = vector.broadcast %squeeze3A_367 : f32 to vector<16xf32>
          %add3A_369 = arith.addf %add3A_136, %add3A_368 : vector<16xf32>
          %mul3A_370 = arith.constant 2.000000e+00 : f32
          %mul3A_371 = vector.broadcast %mul3A_370 : f32 to vector<16xf32>
          %mul3A_372 = arith.mulf %mul3A_371, %add3A_365 : vector<16xf32>
          %sub3A_373 = arith.subf %add3A_369, %mul3A_372 : vector<16xf32>
          %min3A_374 = arith.minimumf %min3A_351, %sub3A_373 : vector<16xf32>
          %slice3A_375 = vector.extract_strided_slice %bitcast_convert_type3A_182 {offsets = [7], sizes = [1], strides = [1]} : vector<16xf32> to vector<1xf32>
          %squeeze3A_376 = vector.extract %slice3A_375[0] : f32 from vector<1xf32>
          %mul3A_377 = vector.broadcast %squeeze3A_376 : f32 to vector<16xf32>
          %mul3A_378 = arith.mulf %bitcast_convert_type3A_101, %mul3A_377 : vector<16xf32>
          %slice3A_379 = vector.extract_strided_slice %bitcast_convert_type3A_197 {offsets = [7], sizes = [1], strides = [1]} : vector<16xf32> to vector<1xf32>
          %squeeze3A_380 = vector.extract %slice3A_379[0] : f32 from vector<1xf32>
          %mul3A_381 = vector.broadcast %squeeze3A_380 : f32 to vector<16xf32>
          %mul3A_382 = arith.mulf %bitcast_convert_type3A_116, %mul3A_381 : vector<16xf32>
          %add3A_383 = arith.addf %mul3A_378, %mul3A_382 : vector<16xf32>
          %slice3A_384 = vector.extract_strided_slice %bitcast_convert_type3A_212 {offsets = [7], sizes = [1], strides = [1]} : vector<16xf32> to vector<1xf32>
          %squeeze3A_385 = vector.extract %slice3A_384[0] : f32 from vector<1xf32>
          %mul3A_386 = vector.broadcast %squeeze3A_385 : f32 to vector<16xf32>
          %mul3A_387 = arith.mulf %bitcast_convert_type3A_131, %mul3A_386 : vector<16xf32>
          %add3A_388 = arith.addf %add3A_383, %mul3A_387 : vector<16xf32>
          %slice3A_389 = vector.extract_strided_slice %add3A_217 {offsets = [7], sizes = [1], strides = [1]} : vector<16xf32> to vector<1xf32>
          %squeeze3A_390 = vector.extract %slice3A_389[0] : f32 from vector<1xf32>
          %add3A_391 = vector.broadcast %squeeze3A_390 : f32 to vector<16xf32>
          %add3A_392 = arith.addf %add3A_136, %add3A_391 : vector<16xf32>
          %mul3A_393 = arith.constant 2.000000e+00 : f32
          %mul3A_394 = vector.broadcast %mul3A_393 : f32 to vector<16xf32>
          %mul3A_395 = arith.mulf %mul3A_394, %add3A_388 : vector<16xf32>
          %sub3A_396 = arith.subf %add3A_392, %mul3A_395 : vector<16xf32>
          %min3A_397 = arith.minimumf %min3A_374, %sub3A_396 : vector<16xf32>
          %slice3A_398 = vector.extract_strided_slice %bitcast_convert_type3A_182 {offsets = [8], sizes = [1], strides = [1]} : vector<16xf32> to vector<1xf32>
          %squeeze3A_399 = vector.extract %slice3A_398[0] : f32 from vector<1xf32>
          %mul3A_400 = vector.broadcast %squeeze3A_399 : f32 to vector<16xf32>
          %mul3A_401 = arith.mulf %bitcast_convert_type3A_101, %mul3A_400 : vector<16xf32>
          %slice3A_402 = vector.extract_strided_slice %bitcast_convert_type3A_197 {offsets = [8], sizes = [1], strides = [1]} : vector<16xf32> to vector<1xf32>
          %squeeze3A_403 = vector.extract %slice3A_402[0] : f32 from vector<1xf32>
          %mul3A_404 = vector.broadcast %squeeze3A_403 : f32 to vector<16xf32>
          %mul3A_405 = arith.mulf %bitcast_convert_type3A_116, %mul3A_404 : vector<16xf32>
          %add3A_406 = arith.addf %mul3A_401, %mul3A_405 : vector<16xf32>
          %slice3A_407 = vector.extract_strided_slice %bitcast_convert_type3A_212 {offsets = [8], sizes = [1], strides = [1]} : vector<16xf32> to vector<1xf32>
          %squeeze3A_408 = vector.extract %slice3A_407[0] : f32 from vector<1xf32>
          %mul3A_409 = vector.broadcast %squeeze3A_408 : f32 to vector<16xf32>
          %mul3A_410 = arith.mulf %bitcast_convert_type3A_131, %mul3A_409 : vector<16xf32>
          %add3A_411 = arith.addf %add3A_406, %mul3A_410 : vector<16xf32>
          %slice3A_412 = vector.extract_strided_slice %add3A_217 {offsets = [8], sizes = [1], strides = [1]} : vector<16xf32> to vector<1xf32>
          %squeeze3A_413 = vector.extract %slice3A_412[0] : f32 from vector<1xf32>
          %add3A_414 = vector.broadcast %squeeze3A_413 : f32 to vector<16xf32>
          %add3A_415 = arith.addf %add3A_136, %add3A_414 : vector<16xf32>
          %mul3A_416 = arith.constant 2.000000e+00 : f32
          %mul3A_417 = vector.broadcast %mul3A_416 : f32 to vector<16xf32>
          %mul3A_418 = arith.mulf %mul3A_417, %add3A_411 : vector<16xf32>
          %sub3A_419 = arith.subf %add3A_415, %mul3A_418 : vector<16xf32>
          %min3A_420 = arith.minimumf %min3A_397, %sub3A_419 : vector<16xf32>
          %slice3A_421 = vector.extract_strided_slice %bitcast_convert_type3A_182 {offsets = [9], sizes = [1], strides = [1]} : vector<16xf32> to vector<1xf32>
          %squeeze3A_422 = vector.extract %slice3A_421[0] : f32 from vector<1xf32>
          %mul3A_423 = vector.broadcast %squeeze3A_422 : f32 to vector<16xf32>
          %mul3A_424 = arith.mulf %bitcast_convert_type3A_101, %mul3A_423 : vector<16xf32>
          %slice3A_425 = vector.extract_strided_slice %bitcast_convert_type3A_197 {offsets = [9], sizes = [1], strides = [1]} : vector<16xf32> to vector<1xf32>
          %squeeze3A_426 = vector.extract %slice3A_425[0] : f32 from vector<1xf32>
          %mul3A_427 = vector.broadcast %squeeze3A_426 : f32 to vector<16xf32>
          %mul3A_428 = arith.mulf %bitcast_convert_type3A_116, %mul3A_427 : vector<16xf32>
          %add3A_429 = arith.addf %mul3A_424, %mul3A_428 : vector<16xf32>
          %slice3A_430 = vector.extract_strided_slice %bitcast_convert_type3A_212 {offsets = [9], sizes = [1], strides = [1]} : vector<16xf32> to vector<1xf32>
          %squeeze3A_431 = vector.extract %slice3A_430[0] : f32 from vector<1xf32>
          %mul3A_432 = vector.broadcast %squeeze3A_431 : f32 to vector<16xf32>
          %mul3A_433 = arith.mulf %bitcast_convert_type3A_131, %mul3A_432 : vector<16xf32>
          %add3A_434 = arith.addf %add3A_429, %mul3A_433 : vector<16xf32>
          %slice3A_435 = vector.extract_strided_slice %add3A_217 {offsets = [9], sizes = [1], strides = [1]} : vector<16xf32> to vector<1xf32>
          %squeeze3A_436 = vector.extract %slice3A_435[0] : f32 from vector<1xf32>
          %add3A_437 = vector.broadcast %squeeze3A_436 : f32 to vector<16xf32>
          %add3A_438 = arith.addf %add3A_136, %add3A_437 : vector<16xf32>
          %mul3A_439 = arith.constant 2.000000e+00 : f32
          %mul3A_440 = vector.broadcast %mul3A_439 : f32 to vector<16xf32>
          %mul3A_441 = arith.mulf %mul3A_440, %add3A_434 : vector<16xf32>
          %sub3A_442 = arith.subf %add3A_438, %mul3A_441 : vector<16xf32>
          %min3A_443 = arith.minimumf %min3A_420, %sub3A_442 : vector<16xf32>
          %slice3A_444 = vector.extract_strided_slice %bitcast_convert_type3A_182 {offsets = [10], sizes = [1], strides = [1]} : vector<16xf32> to vector<1xf32>
          %squeeze3A_445 = vector.extract %slice3A_444[0] : f32 from vector<1xf32>
          %mul3A_446 = vector.broadcast %squeeze3A_445 : f32 to vector<16xf32>
          %mul3A_447 = arith.mulf %bitcast_convert_type3A_101, %mul3A_446 : vector<16xf32>
          %slice3A_448 = vector.extract_strided_slice %bitcast_convert_type3A_197 {offsets = [10], sizes = [1], strides = [1]} : vector<16xf32> to vector<1xf32>
          %squeeze3A_449 = vector.extract %slice3A_448[0] : f32 from vector<1xf32>
          %mul3A_450 = vector.broadcast %squeeze3A_449 : f32 to vector<16xf32>
          %mul3A_451 = arith.mulf %bitcast_convert_type3A_116, %mul3A_450 : vector<16xf32>
          %add3A_452 = arith.addf %mul3A_447, %mul3A_451 : vector<16xf32>
          %slice3A_453 = vector.extract_strided_slice %bitcast_convert_type3A_212 {offsets = [10], sizes = [1], strides = [1]} : vector<16xf32> to vector<1xf32>
          %squeeze3A_454 = vector.extract %slice3A_453[0] : f32 from vector<1xf32>
          %mul3A_455 = vector.broadcast %squeeze3A_454 : f32 to vector<16xf32>
          %mul3A_456 = arith.mulf %bitcast_convert_type3A_131, %mul3A_455 : vector<16xf32>
          %add3A_457 = arith.addf %add3A_452, %mul3A_456 : vector<16xf32>
          %slice3A_458 = vector.extract_strided_slice %add3A_217 {offsets = [10], sizes = [1], strides = [1]} : vector<16xf32> to vector<1xf32>
          %squeeze3A_459 = vector.extract %slice3A_458[0] : f32 from vector<1xf32>
          %add3A_460 = vector.broadcast %squeeze3A_459 : f32 to vector<16xf32>
          %add3A_461 = arith.addf %add3A_136, %add3A_460 : vector<16xf32>
          %mul3A_462 = arith.constant 2.000000e+00 : f32
          %mul3A_463 = vector.broadcast %mul3A_462 : f32 to vector<16xf32>
          %mul3A_464 = arith.mulf %mul3A_463, %add3A_457 : vector<16xf32>
          %sub3A_465 = arith.subf %add3A_461, %mul3A_464 : vector<16xf32>
          %min3A_466 = arith.minimumf %min3A_443, %sub3A_465 : vector<16xf32>
          %slice3A_467 = vector.extract_strided_slice %bitcast_convert_type3A_182 {offsets = [11], sizes = [1], strides = [1]} : vector<16xf32> to vector<1xf32>
          %squeeze3A_468 = vector.extract %slice3A_467[0] : f32 from vector<1xf32>
          %mul3A_469 = vector.broadcast %squeeze3A_468 : f32 to vector<16xf32>
          %mul3A_470 = arith.mulf %bitcast_convert_type3A_101, %mul3A_469 : vector<16xf32>
          %slice3A_471 = vector.extract_strided_slice %bitcast_convert_type3A_197 {offsets = [11], sizes = [1], strides = [1]} : vector<16xf32> to vector<1xf32>
          %squeeze3A_472 = vector.extract %slice3A_471[0] : f32 from vector<1xf32>
          %mul3A_473 = vector.broadcast %squeeze3A_472 : f32 to vector<16xf32>
          %mul3A_474 = arith.mulf %bitcast_convert_type3A_116, %mul3A_473 : vector<16xf32>
          %add3A_475 = arith.addf %mul3A_470, %mul3A_474 : vector<16xf32>
          %slice3A_476 = vector.extract_strided_slice %bitcast_convert_type3A_212 {offsets = [11], sizes = [1], strides = [1]} : vector<16xf32> to vector<1xf32>
          %squeeze3A_477 = vector.extract %slice3A_476[0] : f32 from vector<1xf32>
          %mul3A_478 = vector.broadcast %squeeze3A_477 : f32 to vector<16xf32>
          %mul3A_479 = arith.mulf %bitcast_convert_type3A_131, %mul3A_478 : vector<16xf32>
          %add3A_480 = arith.addf %add3A_475, %mul3A_479 : vector<16xf32>
          %slice3A_481 = vector.extract_strided_slice %add3A_217 {offsets = [11], sizes = [1], strides = [1]} : vector<16xf32> to vector<1xf32>
          %squeeze3A_482 = vector.extract %slice3A_481[0] : f32 from vector<1xf32>
          %add3A_483 = vector.broadcast %squeeze3A_482 : f32 to vector<16xf32>
          %add3A_484 = arith.addf %add3A_136, %add3A_483 : vector<16xf32>
          %mul3A_485 = arith.constant 2.000000e+00 : f32
          %mul3A_486 = vector.broadcast %mul3A_485 : f32 to vector<16xf32>
          %mul3A_487 = arith.mulf %mul3A_486, %add3A_480 : vector<16xf32>
          %sub3A_488 = arith.subf %add3A_484, %mul3A_487 : vector<16xf32>
          %min3A_489 = arith.minimumf %min3A_466, %sub3A_488 : vector<16xf32>
          %slice3A_490 = vector.extract_strided_slice %bitcast_convert_type3A_182 {offsets = [12], sizes = [1], strides = [1]} : vector<16xf32> to vector<1xf32>
          %squeeze3A_491 = vector.extract %slice3A_490[0] : f32 from vector<1xf32>
          %mul3A_492 = vector.broadcast %squeeze3A_491 : f32 to vector<16xf32>
          %mul3A_493 = arith.mulf %bitcast_convert_type3A_101, %mul3A_492 : vector<16xf32>
          %slice3A_494 = vector.extract_strided_slice %bitcast_convert_type3A_197 {offsets = [12], sizes = [1], strides = [1]} : vector<16xf32> to vector<1xf32>
          %squeeze3A_495 = vector.extract %slice3A_494[0] : f32 from vector<1xf32>
          %mul3A_496 = vector.broadcast %squeeze3A_495 : f32 to vector<16xf32>
          %mul3A_497 = arith.mulf %bitcast_convert_type3A_116, %mul3A_496 : vector<16xf32>
          %add3A_498 = arith.addf %mul3A_493, %mul3A_497 : vector<16xf32>
          %slice3A_499 = vector.extract_strided_slice %bitcast_convert_type3A_212 {offsets = [12], sizes = [1], strides = [1]} : vector<16xf32> to vector<1xf32>
          %squeeze3A_500 = vector.extract %slice3A_499[0] : f32 from vector<1xf32>
          %mul3A_501 = vector.broadcast %squeeze3A_500 : f32 to vector<16xf32>
          %mul3A_502 = arith.mulf %bitcast_convert_type3A_131, %mul3A_501 : vector<16xf32>
          %add3A_503 = arith.addf %add3A_498, %mul3A_502 : vector<16xf32>
          %slice3A_504 = vector.extract_strided_slice %add3A_217 {offsets = [12], sizes = [1], strides = [1]} : vector<16xf32> to vector<1xf32>
          %squeeze3A_505 = vector.extract %slice3A_504[0] : f32 from vector<1xf32>
          %add3A_506 = vector.broadcast %squeeze3A_505 : f32 to vector<16xf32>
          %add3A_507 = arith.addf %add3A_136, %add3A_506 : vector<16xf32>
          %mul3A_508 = arith.constant 2.000000e+00 : f32
          %mul3A_509 = vector.broadcast %mul3A_508 : f32 to vector<16xf32>
          %mul3A_510 = arith.mulf %mul3A_509, %add3A_503 : vector<16xf32>
          %sub3A_511 = arith.subf %add3A_507, %mul3A_510 : vector<16xf32>
          %min3A_512 = arith.minimumf %min3A_489, %sub3A_511 : vector<16xf32>
          %slice3A_513 = vector.extract_strided_slice %bitcast_convert_type3A_182 {offsets = [13], sizes = [1], strides = [1]} : vector<16xf32> to vector<1xf32>
          %squeeze3A_514 = vector.extract %slice3A_513[0] : f32 from vector<1xf32>
          %mul3A_515 = vector.broadcast %squeeze3A_514 : f32 to vector<16xf32>
          %mul3A_516 = arith.mulf %bitcast_convert_type3A_101, %mul3A_515 : vector<16xf32>
          %slice3A_517 = vector.extract_strided_slice %bitcast_convert_type3A_197 {offsets = [13], sizes = [1], strides = [1]} : vector<16xf32> to vector<1xf32>
          %squeeze3A_518 = vector.extract %slice3A_517[0] : f32 from vector<1xf32>
          %mul3A_519 = vector.broadcast %squeeze3A_518 : f32 to vector<16xf32>
          %mul3A_520 = arith.mulf %bitcast_convert_type3A_116, %mul3A_519 : vector<16xf32>
          %add3A_521 = arith.addf %mul3A_516, %mul3A_520 : vector<16xf32>
          %slice3A_522 = vector.extract_strided_slice %bitcast_convert_type3A_212 {offsets = [13], sizes = [1], strides = [1]} : vector<16xf32> to vector<1xf32>
          %squeeze3A_523 = vector.extract %slice3A_522[0] : f32 from vector<1xf32>
          %mul3A_524 = vector.broadcast %squeeze3A_523 : f32 to vector<16xf32>
          %mul3A_525 = arith.mulf %bitcast_convert_type3A_131, %mul3A_524 : vector<16xf32>
          %add3A_526 = arith.addf %add3A_521, %mul3A_525 : vector<16xf32>
          %slice3A_527 = vector.extract_strided_slice %add3A_217 {offsets = [13], sizes = [1], strides = [1]} : vector<16xf32> to vector<1xf32>
          %squeeze3A_528 = vector.extract %slice3A_527[0] : f32 from vector<1xf32>
          %add3A_529 = vector.broadcast %squeeze3A_528 : f32 to vector<16xf32>
          %add3A_530 = arith.addf %add3A_136, %add3A_529 : vector<16xf32>
          %mul3A_531 = arith.constant 2.000000e+00 : f32
          %mul3A_532 = vector.broadcast %mul3A_531 : f32 to vector<16xf32>
          %mul3A_533 = arith.mulf %mul3A_532, %add3A_526 : vector<16xf32>
          %sub3A_534 = arith.subf %add3A_530, %mul3A_533 : vector<16xf32>
          %min3A_535 = arith.minimumf %min3A_512, %sub3A_534 : vector<16xf32>
          %slice3A_536 = vector.extract_strided_slice %bitcast_convert_type3A_182 {offsets = [14], sizes = [1], strides = [1]} : vector<16xf32> to vector<1xf32>
          %squeeze3A_537 = vector.extract %slice3A_536[0] : f32 from vector<1xf32>
          %mul3A_538 = vector.broadcast %squeeze3A_537 : f32 to vector<16xf32>
          %mul3A_539 = arith.mulf %bitcast_convert_type3A_101, %mul3A_538 : vector<16xf32>
          %slice3A_540 = vector.extract_strided_slice %bitcast_convert_type3A_197 {offsets = [14], sizes = [1], strides = [1]} : vector<16xf32> to vector<1xf32>
          %squeeze3A_541 = vector.extract %slice3A_540[0] : f32 from vector<1xf32>
          %mul3A_542 = vector.broadcast %squeeze3A_541 : f32 to vector<16xf32>
          %mul3A_543 = arith.mulf %bitcast_convert_type3A_116, %mul3A_542 : vector<16xf32>
          %add3A_544 = arith.addf %mul3A_539, %mul3A_543 : vector<16xf32>
          %slice3A_545 = vector.extract_strided_slice %bitcast_convert_type3A_212 {offsets = [14], sizes = [1], strides = [1]} : vector<16xf32> to vector<1xf32>
          %squeeze3A_546 = vector.extract %slice3A_545[0] : f32 from vector<1xf32>
          %mul3A_547 = vector.broadcast %squeeze3A_546 : f32 to vector<16xf32>
          %mul3A_548 = arith.mulf %bitcast_convert_type3A_131, %mul3A_547 : vector<16xf32>
          %add3A_549 = arith.addf %add3A_544, %mul3A_548 : vector<16xf32>
          %slice3A_550 = vector.extract_strided_slice %add3A_217 {offsets = [14], sizes = [1], strides = [1]} : vector<16xf32> to vector<1xf32>
          %squeeze3A_551 = vector.extract %slice3A_550[0] : f32 from vector<1xf32>
          %add3A_552 = vector.broadcast %squeeze3A_551 : f32 to vector<16xf32>
          %add3A_553 = arith.addf %add3A_136, %add3A_552 : vector<16xf32>
          %mul3A_554 = arith.constant 2.000000e+00 : f32
          %mul3A_555 = vector.broadcast %mul3A_554 : f32 to vector<16xf32>
          %mul3A_556 = arith.mulf %mul3A_555, %add3A_549 : vector<16xf32>
          %sub3A_557 = arith.subf %add3A_553, %mul3A_556 : vector<16xf32>
          %min3A_558 = arith.minimumf %min3A_535, %sub3A_557 : vector<16xf32>
          %slice3A_559 = vector.extract_strided_slice %bitcast_convert_type3A_182 {offsets = [15], sizes = [1], strides = [1]} : vector<16xf32> to vector<1xf32>
          %squeeze3A_560 = vector.extract %slice3A_559[0] : f32 from vector<1xf32>
          %mul3A_561 = vector.broadcast %squeeze3A_560 : f32 to vector<16xf32>
          %mul3A_562 = arith.mulf %bitcast_convert_type3A_101, %mul3A_561 : vector<16xf32>
          %slice3A_563 = vector.extract_strided_slice %bitcast_convert_type3A_197 {offsets = [15], sizes = [1], strides = [1]} : vector<16xf32> to vector<1xf32>
          %squeeze3A_564 = vector.extract %slice3A_563[0] : f32 from vector<1xf32>
          %mul3A_565 = vector.broadcast %squeeze3A_564 : f32 to vector<16xf32>
          %mul3A_566 = arith.mulf %bitcast_convert_type3A_116, %mul3A_565 : vector<16xf32>
          %add3A_567 = arith.addf %mul3A_562, %mul3A_566 : vector<16xf32>
          %slice3A_568 = vector.extract_strided_slice %bitcast_convert_type3A_212 {offsets = [15], sizes = [1], strides = [1]} : vector<16xf32> to vector<1xf32>
          %squeeze3A_569 = vector.extract %slice3A_568[0] : f32 from vector<1xf32>
          %mul3A_570 = vector.broadcast %squeeze3A_569 : f32 to vector<16xf32>
          %mul3A_571 = arith.mulf %bitcast_convert_type3A_131, %mul3A_570 : vector<16xf32>
          %add3A_572 = arith.addf %add3A_567, %mul3A_571 : vector<16xf32>
          %slice3A_573 = vector.extract_strided_slice %add3A_217 {offsets = [15], sizes = [1], strides = [1]} : vector<16xf32> to vector<1xf32>
          %squeeze3A_574 = vector.extract %slice3A_573[0] : f32 from vector<1xf32>
          %add3A_575 = vector.broadcast %squeeze3A_574 : f32 to vector<16xf32>
          %add3A_576 = arith.addf %add3A_136, %add3A_575 : vector<16xf32>
          %mul3A_577 = arith.constant 2.000000e+00 : f32
          %mul3A_578 = vector.broadcast %mul3A_577 : f32 to vector<16xf32>
          %mul3A_579 = arith.mulf %mul3A_578, %add3A_572 : vector<16xf32>
          %sub3A_580 = arith.subf %add3A_576, %mul3A_579 : vector<16xf32>
          %min3A_581 = arith.minimumf %min3A_558, %sub3A_580 : vector<16xf32>
          scf.yield %min3A_581 : vector<16xf32>
        }
        %scan3A_144 = arith.constant 128 : i32
        %max3A = arith.constant 0.000000e+00 : f32
        %max3A_145 = vector.broadcast %max3A : f32 to vector<16xf32>
        %max3A_146 = arith.maximumf %scan3A_143, %max3A_145 : vector<16xf32>
        %add3A_147 = arith.addf %scan3A_75, %max3A_146 : vector<16xf32>
        scf.yield %add3A_147 : vector<16xf32>
      }
      %scan3A_65 = arith.constant 4 : i32
      %mul3A_66 = arith.constant 64 : i32
      %mul3A_67 = arith.muli %add3A, %mul3A_66 : i32
      %scan3A_68 = arith.constant 0 : i32
      %scan3A_69 = arith.constant 4 : i32
      %scan3A_70 = arith.addi %scan3A_68, %scan3A_69 : i32
      %scan3A_71 = arith.constant 1 : i32
      %scan3A_72 = scf.for %scan3A_74 = %scan3A_68 to %scan3A_70 step %scan3A_71 iter_args(%scan3A_75 = %scan3A_64) -> (vector<16xf32>)  : i32 {
        %mul3A_76 = arith.constant 16 : i32
        %mul3A_77 = arith.muli %scan3A_74, %mul3A_76 : i32
        %add3A_78 = arith.addi %mul3A_67, %mul3A_77 : i32
        %get3A = arith.constant 0 : i32
        %get3A_79 = arith.index_cast %get3A : i32 to index
        %get3A_80 = arith.index_cast %add3A_78 : i32 to index
        %get3A_81 = tpu.vector_load %arg6[%get3A_79, %get3A_80] {strides = array<i32>} : memref<3x2048xf32, #tpu.memory_space<vmem>>, vector<16xf32>,
        %get3A_82 = arith.constant 1 : i32
        %get3A_83 = arith.index_cast %get3A_82 : i32 to index
        %get3A_84 = arith.index_cast %add3A_78 : i32 to index
        %get3A_85 = tpu.vector_load %arg6[%get3A_83, %get3A_84] {strides = array<i32>} : memref<3x2048xf32, #tpu.memory_space<vmem>>, vector<16xf32>,
        %get3A_86 = arith.constant 2 : i32
        %get3A_87 = arith.index_cast %get3A_86 : i32 to index
        %get3A_88 = arith.index_cast %add3A_78 : i32 to index
        %get3A_89 = tpu.vector_load %arg6[%get3A_87, %get3A_88] {strides = array<i32>} : memref<3x2048xf32, #tpu.memory_space<vmem>>, vector<16xf32>,
        %bitcast_convert_type3A = tpu.bitcast %get3A_81 : vector<16xf32> -> vector<16xi32>
        %add3A_90 = arith.constant 32767 : i32
        %add3A_91 = vector.broadcast %add3A_90 : i32 to vector<16xi32>
        %add3A_92 = arith.addi %bitcast_convert_type3A, %add3A_91 : vector<16xi32>
        %shift_right_logical3A = arith.constant 16 : i32
        %shift_right_logical3A_93 = vector.broadcast %shift_right_logical3A : i32 to vector<16xi32>
        %shift_right_logical3A_94 = arith.shrui %bitcast_convert_type3A, %shift_right_logical3A_93 : vector<16xi32>
        %and3A = arith.constant 1 : i32
        %and3A_95 = vector.broadcast %and3A : i32 to vector<16xi32>
        %and3A_96 = arith.andi %shift_right_logical3A_94, %and3A_95 : vector<16xi32>
        %add3A_97 = arith.addi %add3A_92, %and3A_96 : vector<16xi32>
        %and3A_98 = arith.constant -65536 : i32
        %and3A_99 = vector.broadcast %and3A_98 : i32 to vector<16xi32>
        %and3A_100 = arith.andi %add3A_97, %and3A_99 : vector<16xi32>
        %bitcast_convert_type3A_101 = tpu.bitcast %and3A_100 : vector<16xi32> -> vector<16xf32>
        %bitcast_convert_type3A_102 = tpu.bitcast %get3A_85 : vector<16xf32> -> vector<16xi32>
        %add3A_103 = arith.constant 32767 : i32
        %add3A_104 = vector.broadcast %add3A_103 : i32 to vector<16xi32>
        %add3A_105 = arith.addi %bitcast_convert_type3A_102, %add3A_104 : vector<16xi32>
        %shift_right_logical3A_106 = arith.constant 16 : i32
        %shift_right_logical3A_107 = vector.broadcast %shift_right_logical3A_106 : i32 to vector<16xi32>
        %shift_right_logical3A_108 = arith.shrui %bitcast_convert_type3A_102, %shift_right_logical3A_107 : vector<16xi32>
        %and3A_109 = arith.constant 1 : i32
        %and3A_110 = vector.broadcast %and3A_109 : i32 to vector<16xi32>
        %and3A_111 = arith.andi %shift_right_logical3A_108, %and3A_110 : vector<16xi32>
        %add3A_112 = arith.addi %add3A_105, %and3A_111 : vector<16xi32>
        %and3A_113 = arith.constant -65536 : i32
        %and3A_114 = vector.broadcast %and3A_113 : i32 to vector<16xi32>
        %and3A_115 = arith.andi %add3A_112, %and3A_114 : vector<16xi32>
        %bitcast_convert_type3A_116 = tpu.bitcast %and3A_115 : vector<16xi32> -> vector<16xf32>
        %bitcast_convert_type3A_117 = tpu.bitcast %get3A_89 : vector<16xf32> -> vector<16xi32>
        %add3A_118 = arith.constant 32767 : i32
        %add3A_119 = vector.broadcast %add3A_118 : i32 to vector<16xi32>
        %add3A_120 = arith.addi %bitcast_convert_type3A_117, %add3A_119 : vector<16xi32>
        %shift_right_logical3A_121 = arith.constant 16 : i32
        %shift_right_logical3A_122 = vector.broadcast %shift_right_logical3A_121 : i32 to vector<16xi32>
        %shift_right_logical3A_123 = arith.shrui %bitcast_convert_type3A_117, %shift_right_logical3A_122 : vector<16xi32>
        %and3A_124 = arith.constant 1 : i32
        %and3A_125 = vector.broadcast %and3A_124 : i32 to vector<16xi32>
        %and3A_126 = arith.andi %shift_right_logical3A_123, %and3A_125 : vector<16xi32>
        %add3A_127 = arith.addi %add3A_120, %and3A_126 : vector<16xi32>
        %and3A_128 = arith.constant -65536 : i32
        %and3A_129 = vector.broadcast %and3A_128 : i32 to vector<16xi32>
        %and3A_130 = arith.andi %add3A_127, %and3A_129 : vector<16xi32>
        %bitcast_convert_type3A_131 = tpu.bitcast %and3A_130 : vector<16xi32> -> vector<16xf32>
        %mul3A_132 = arith.mulf %get3A_81, %get3A_81 : vector<16xf32>
        %mul3A_133 = arith.mulf %get3A_85, %get3A_85 : vector<16xf32>
        %add3A_134 = arith.addf %mul3A_132, %mul3A_133 : vector<16xf32>
        %mul3A_135 = arith.mulf %get3A_89, %get3A_89 : vector<16xf32>
        %add3A_136 = arith.addf %add3A_134, %mul3A_135 : vector<16xf32>
        %broadcast_in_dim3A_137 = arith.constant 0x7F800000 : f32
        %broadcast_in_dim3A_138 = vector.broadcast %broadcast_in_dim3A_137 : f32 to vector<16xf32>
        %scan3A_139 = arith.constant 0 : i32
        %scan3A_140 = arith.constant 128 : i32
        %scan3A_141 = arith.addi %scan3A_139, %scan3A_140 : i32
        %scan3A_142 = arith.constant 1 : i32
        %scan3A_143 = scf.for %scan3A_148 = %scan3A_139 to %scan3A_141 step %scan3A_142 iter_args(%scan3A_149 = %broadcast_in_dim3A_138) -> (vector<16xf32>)  : i32 {
          %mul3A_150 = arith.constant 16 : i32
          %mul3A_151 = arith.muli %scan3A_148, %mul3A_150 : i32
          %get3A_152 = arith.constant 0 : i32
          %get3A_153 = arith.index_cast %get3A_152 : i32 to index
          %get3A_154 = arith.index_cast %mul3A_151 : i32 to index
          %get3A_155 = tpu.vector_load %arg5[%get3A_153, %get3A_154] {strides = array<i32>} : memref<3x2048xf32, #tpu.memory_space<vmem>>, vector<16xf32>,
          %mul3A_156 = arith.constant 16 : i32
          %mul3A_157 = arith.muli %scan3A_148, %mul3A_156 : i32
          %get3A_158 = arith.constant 1 : i32
          %get3A_159 = arith.index_cast %get3A_158 : i32 to index
          %get3A_160 = arith.index_cast %mul3A_157 : i32 to index
          %get3A_161 = tpu.vector_load %arg5[%get3A_159, %get3A_160] {strides = array<i32>} : memref<3x2048xf32, #tpu.memory_space<vmem>>, vector<16xf32>,
          %mul3A_162 = arith.constant 16 : i32
          %mul3A_163 = arith.muli %scan3A_148, %mul3A_162 : i32
          %get3A_164 = arith.constant 2 : i32
          %get3A_165 = arith.index_cast %get3A_164 : i32 to index
          %get3A_166 = arith.index_cast %mul3A_163 : i32 to index
          %get3A_167 = tpu.vector_load %arg5[%get3A_165, %get3A_166] {strides = array<i32>} : memref<3x2048xf32, #tpu.memory_space<vmem>>, vector<16xf32>,
          %bitcast_convert_type3A_168 = tpu.bitcast %get3A_155 : vector<16xf32> -> vector<16xi32>
          %add3A_169 = arith.constant 32767 : i32
          %add3A_170 = vector.broadcast %add3A_169 : i32 to vector<16xi32>
          %add3A_171 = arith.addi %bitcast_convert_type3A_168, %add3A_170 : vector<16xi32>
          %shift_right_logical3A_172 = arith.constant 16 : i32
          %shift_right_logical3A_173 = vector.broadcast %shift_right_logical3A_172 : i32 to vector<16xi32>
          %shift_right_logical3A_174 = arith.shrui %bitcast_convert_type3A_168, %shift_right_logical3A_173 : vector<16xi32>
          %and3A_175 = arith.constant 1 : i32
          %and3A_176 = vector.broadcast %and3A_175 : i32 to vector<16xi32>
          %and3A_177 = arith.andi %shift_right_logical3A_174, %and3A_176 : vector<16xi32>
          %add3A_178 = arith.addi %add3A_171, %and3A_177 : vector<16xi32>
          %and3A_179 = arith.constant -65536 : i32
          %and3A_180 = vector.broadcast %and3A_179 : i32 to vector<16xi32>
          %and3A_181 = arith.andi %add3A_178, %and3A_180 : vector<16xi32>
          %bitcast_convert_type3A_182 = tpu.bitcast %and3A_181 : vector<16xi32> -> vector<16xf32>
          %bitcast_convert_type3A_183 = tpu.bitcast %get3A_161 : vector<16xf32> -> vector<16xi32>
          %add3A_184 = arith.constant 32767 : i32
          %add3A_185 = vector.broadcast %add3A_184 : i32 to vector<16xi32>
          %add3A_186 = arith.addi %bitcast_convert_type3A_183, %add3A_185 : vector<16xi32>
          %shift_right_logical3A_187 = arith.constant 16 : i32
          %shift_right_logical3A_188 = vector.broadcast %shift_right_logical3A_187 : i32 to vector<16xi32>
          %shift_right_logical3A_189 = arith.shrui %bitcast_convert_type3A_183, %shift_right_logical3A_188 : vector<16xi32>
          %and3A_190 = arith.constant 1 : i32
          %and3A_191 = vector.broadcast %and3A_190 : i32 to vector<16xi32>
          %and3A_192 = arith.andi %shift_right_logical3A_189, %and3A_191 : vector<16xi32>
          %add3A_193 = arith.addi %add3A_186, %and3A_192 : vector<16xi32>
          %and3A_194 = arith.constant -65536 : i32
          %and3A_195 = vector.broadcast %and3A_194 : i32 to vector<16xi32>
          %and3A_196 = arith.andi %add3A_193, %and3A_195 : vector<16xi32>
          %bitcast_convert_type3A_197 = tpu.bitcast %and3A_196 : vector<16xi32> -> vector<16xf32>
          %bitcast_convert_type3A_198 = tpu.bitcast %get3A_167 : vector<16xf32> -> vector<16xi32>
          %add3A_199 = arith.constant 32767 : i32
          %add3A_200 = vector.broadcast %add3A_199 : i32 to vector<16xi32>
          %add3A_201 = arith.addi %bitcast_convert_type3A_198, %add3A_200 : vector<16xi32>
          %shift_right_logical3A_202 = arith.constant 16 : i32
          %shift_right_logical3A_203 = vector.broadcast %shift_right_logical3A_202 : i32 to vector<16xi32>
          %shift_right_logical3A_204 = arith.shrui %bitcast_convert_type3A_198, %shift_right_logical3A_203 : vector<16xi32>
          %and3A_205 = arith.constant 1 : i32
          %and3A_206 = vector.broadcast %and3A_205 : i32 to vector<16xi32>
          %and3A_207 = arith.andi %shift_right_logical3A_204, %and3A_206 : vector<16xi32>
          %add3A_208 = arith.addi %add3A_201, %and3A_207 : vector<16xi32>
          %and3A_209 = arith.constant -65536 : i32
          %and3A_210 = vector.broadcast %and3A_209 : i32 to vector<16xi32>
          %and3A_211 = arith.andi %add3A_208, %and3A_210 : vector<16xi32>
          %bitcast_convert_type3A_212 = tpu.bitcast %and3A_211 : vector<16xi32> -> vector<16xf32>
          %mul3A_213 = arith.mulf %get3A_155, %get3A_155 : vector<16xf32>
          %mul3A_214 = arith.mulf %get3A_161, %get3A_161 : vector<16xf32>
          %add3A_215 = arith.addf %mul3A_213, %mul3A_214 : vector<16xf32>
          %mul3A_216 = arith.mulf %get3A_167, %get3A_167 : vector<16xf32>
          %add3A_217 = arith.addf %add3A_215, %mul3A_216 : vector<16xf32>
          %slice3A = vector.extract_strided_slice %bitcast_convert_type3A_182 {offsets = [0], sizes = [1], strides = [1]} : vector<16xf32> to vector<1xf32>
          %squeeze3A = vector.extract %slice3A[0] : f32 from vector<1xf32>
          %mul3A_218 = vector.broadcast %squeeze3A : f32 to vector<16xf32>
          %mul3A_219 = arith.mulf %bitcast_convert_type3A_101, %mul3A_218 : vector<16xf32>
          %slice3A_220 = vector.extract_strided_slice %bitcast_convert_type3A_197 {offsets = [0], sizes = [1], strides = [1]} : vector<16xf32> to vector<1xf32>
          %squeeze3A_221 = vector.extract %slice3A_220[0] : f32 from vector<1xf32>
          %mul3A_222 = vector.broadcast %squeeze3A_221 : f32 to vector<16xf32>
          %mul3A_223 = arith.mulf %bitcast_convert_type3A_116, %mul3A_222 : vector<16xf32>
          %add3A_224 = arith.addf %mul3A_219, %mul3A_223 : vector<16xf32>
          %slice3A_225 = vector.extract_strided_slice %bitcast_convert_type3A_212 {offsets = [0], sizes = [1], strides = [1]} : vector<16xf32> to vector<1xf32>
          %squeeze3A_226 = vector.extract %slice3A_225[0] : f32 from vector<1xf32>
          %mul3A_227 = vector.broadcast %squeeze3A_226 : f32 to vector<16xf32>
          %mul3A_228 = arith.mulf %bitcast_convert_type3A_131, %mul3A_227 : vector<16xf32>
          %add3A_229 = arith.addf %add3A_224, %mul3A_228 : vector<16xf32>
          %slice3A_230 = vector.extract_strided_slice %add3A_217 {offsets = [0], sizes = [1], strides = [1]} : vector<16xf32> to vector<1xf32>
          %squeeze3A_231 = vector.extract %slice3A_230[0] : f32 from vector<1xf32>
          %add3A_232 = vector.broadcast %squeeze3A_231 : f32 to vector<16xf32>
          %add3A_233 = arith.addf %add3A_136, %add3A_232 : vector<16xf32>
          %mul3A_234 = arith.constant 2.000000e+00 : f32
          %mul3A_235 = vector.broadcast %mul3A_234 : f32 to vector<16xf32>
          %mul3A_236 = arith.mulf %mul3A_235, %add3A_229 : vector<16xf32>
          %sub3A = arith.subf %add3A_233, %mul3A_236 : vector<16xf32>
          %min3A = arith.minimumf %scan3A_149, %sub3A : vector<16xf32>
          %slice3A_237 = vector.extract_strided_slice %bitcast_convert_type3A_182 {offsets = [1], sizes = [1], strides = [1]} : vector<16xf32> to vector<1xf32>
          %squeeze3A_238 = vector.extract %slice3A_237[0] : f32 from vector<1xf32>
          %mul3A_239 = vector.broadcast %squeeze3A_238 : f32 to vector<16xf32>
          %mul3A_240 = arith.mulf %bitcast_convert_type3A_101, %mul3A_239 : vector<16xf32>
          %slice3A_241 = vector.extract_strided_slice %bitcast_convert_type3A_197 {offsets = [1], sizes = [1], strides = [1]} : vector<16xf32> to vector<1xf32>
          %squeeze3A_242 = vector.extract %slice3A_241[0] : f32 from vector<1xf32>
          %mul3A_243 = vector.broadcast %squeeze3A_242 : f32 to vector<16xf32>
          %mul3A_244 = arith.mulf %bitcast_convert_type3A_116, %mul3A_243 : vector<16xf32>
          %add3A_245 = arith.addf %mul3A_240, %mul3A_244 : vector<16xf32>
          %slice3A_246 = vector.extract_strided_slice %bitcast_convert_type3A_212 {offsets = [1], sizes = [1], strides = [1]} : vector<16xf32> to vector<1xf32>
          %squeeze3A_247 = vector.extract %slice3A_246[0] : f32 from vector<1xf32>
          %mul3A_248 = vector.broadcast %squeeze3A_247 : f32 to vector<16xf32>
          %mul3A_249 = arith.mulf %bitcast_convert_type3A_131, %mul3A_248 : vector<16xf32>
          %add3A_250 = arith.addf %add3A_245, %mul3A_249 : vector<16xf32>
          %slice3A_251 = vector.extract_strided_slice %add3A_217 {offsets = [1], sizes = [1], strides = [1]} : vector<16xf32> to vector<1xf32>
          %squeeze3A_252 = vector.extract %slice3A_251[0] : f32 from vector<1xf32>
          %add3A_253 = vector.broadcast %squeeze3A_252 : f32 to vector<16xf32>
          %add3A_254 = arith.addf %add3A_136, %add3A_253 : vector<16xf32>
          %mul3A_255 = arith.constant 2.000000e+00 : f32
          %mul3A_256 = vector.broadcast %mul3A_255 : f32 to vector<16xf32>
          %mul3A_257 = arith.mulf %mul3A_256, %add3A_250 : vector<16xf32>
          %sub3A_258 = arith.subf %add3A_254, %mul3A_257 : vector<16xf32>
          %min3A_259 = arith.minimumf %min3A, %sub3A_258 : vector<16xf32>
          %slice3A_260 = vector.extract_strided_slice %bitcast_convert_type3A_182 {offsets = [2], sizes = [1], strides = [1]} : vector<16xf32> to vector<1xf32>
          %squeeze3A_261 = vector.extract %slice3A_260[0] : f32 from vector<1xf32>
          %mul3A_262 = vector.broadcast %squeeze3A_261 : f32 to vector<16xf32>
          %mul3A_263 = arith.mulf %bitcast_convert_type3A_101, %mul3A_262 : vector<16xf32>
          %slice3A_264 = vector.extract_strided_slice %bitcast_convert_type3A_197 {offsets = [2], sizes = [1], strides = [1]} : vector<16xf32> to vector<1xf32>
          %squeeze3A_265 = vector.extract %slice3A_264[0] : f32 from vector<1xf32>
          %mul3A_266 = vector.broadcast %squeeze3A_265 : f32 to vector<16xf32>
          %mul3A_267 = arith.mulf %bitcast_convert_type3A_116, %mul3A_266 : vector<16xf32>
          %add3A_268 = arith.addf %mul3A_263, %mul3A_267 : vector<16xf32>
          %slice3A_269 = vector.extract_strided_slice %bitcast_convert_type3A_212 {offsets = [2], sizes = [1], strides = [1]} : vector<16xf32> to vector<1xf32>
          %squeeze3A_270 = vector.extract %slice3A_269[0] : f32 from vector<1xf32>
          %mul3A_271 = vector.broadcast %squeeze3A_270 : f32 to vector<16xf32>
          %mul3A_272 = arith.mulf %bitcast_convert_type3A_131, %mul3A_271 : vector<16xf32>
          %add3A_273 = arith.addf %add3A_268, %mul3A_272 : vector<16xf32>
          %slice3A_274 = vector.extract_strided_slice %add3A_217 {offsets = [2], sizes = [1], strides = [1]} : vector<16xf32> to vector<1xf32>
          %squeeze3A_275 = vector.extract %slice3A_274[0] : f32 from vector<1xf32>
          %add3A_276 = vector.broadcast %squeeze3A_275 : f32 to vector<16xf32>
          %add3A_277 = arith.addf %add3A_136, %add3A_276 : vector<16xf32>
          %mul3A_278 = arith.constant 2.000000e+00 : f32
          %mul3A_279 = vector.broadcast %mul3A_278 : f32 to vector<16xf32>
          %mul3A_280 = arith.mulf %mul3A_279, %add3A_273 : vector<16xf32>
          %sub3A_281 = arith.subf %add3A_277, %mul3A_280 : vector<16xf32>
          %min3A_282 = arith.minimumf %min3A_259, %sub3A_281 : vector<16xf32>
          %slice3A_283 = vector.extract_strided_slice %bitcast_convert_type3A_182 {offsets = [3], sizes = [1], strides = [1]} : vector<16xf32> to vector<1xf32>
          %squeeze3A_284 = vector.extract %slice3A_283[0] : f32 from vector<1xf32>
          %mul3A_285 = vector.broadcast %squeeze3A_284 : f32 to vector<16xf32>
          %mul3A_286 = arith.mulf %bitcast_convert_type3A_101, %mul3A_285 : vector<16xf32>
          %slice3A_287 = vector.extract_strided_slice %bitcast_convert_type3A_197 {offsets = [3], sizes = [1], strides = [1]} : vector<16xf32> to vector<1xf32>
          %squeeze3A_288 = vector.extract %slice3A_287[0] : f32 from vector<1xf32>
          %mul3A_289 = vector.broadcast %squeeze3A_288 : f32 to vector<16xf32>
          %mul3A_290 = arith.mulf %bitcast_convert_type3A_116, %mul3A_289 : vector<16xf32>
          %add3A_291 = arith.addf %mul3A_286, %mul3A_290 : vector<16xf32>
          %slice3A_292 = vector.extract_strided_slice %bitcast_convert_type3A_212 {offsets = [3], sizes = [1], strides = [1]} : vector<16xf32> to vector<1xf32>
          %squeeze3A_293 = vector.extract %slice3A_292[0] : f32 from vector<1xf32>
          %mul3A_294 = vector.broadcast %squeeze3A_293 : f32 to vector<16xf32>
          %mul3A_295 = arith.mulf %bitcast_convert_type3A_131, %mul3A_294 : vector<16xf32>
          %add3A_296 = arith.addf %add3A_291, %mul3A_295 : vector<16xf32>
          %slice3A_297 = vector.extract_strided_slice %add3A_217 {offsets = [3], sizes = [1], strides = [1]} : vector<16xf32> to vector<1xf32>
          %squeeze3A_298 = vector.extract %slice3A_297[0] : f32 from vector<1xf32>
          %add3A_299 = vector.broadcast %squeeze3A_298 : f32 to vector<16xf32>
          %add3A_300 = arith.addf %add3A_136, %add3A_299 : vector<16xf32>
          %mul3A_301 = arith.constant 2.000000e+00 : f32
          %mul3A_302 = vector.broadcast %mul3A_301 : f32 to vector<16xf32>
          %mul3A_303 = arith.mulf %mul3A_302, %add3A_296 : vector<16xf32>
          %sub3A_304 = arith.subf %add3A_300, %mul3A_303 : vector<16xf32>
          %min3A_305 = arith.minimumf %min3A_282, %sub3A_304 : vector<16xf32>
          %slice3A_306 = vector.extract_strided_slice %bitcast_convert_type3A_182 {offsets = [4], sizes = [1], strides = [1]} : vector<16xf32> to vector<1xf32>
          %squeeze3A_307 = vector.extract %slice3A_306[0] : f32 from vector<1xf32>
          %mul3A_308 = vector.broadcast %squeeze3A_307 : f32 to vector<16xf32>
          %mul3A_309 = arith.mulf %bitcast_convert_type3A_101, %mul3A_308 : vector<16xf32>
          %slice3A_310 = vector.extract_strided_slice %bitcast_convert_type3A_197 {offsets = [4], sizes = [1], strides = [1]} : vector<16xf32> to vector<1xf32>
          %squeeze3A_311 = vector.extract %slice3A_310[0] : f32 from vector<1xf32>
          %mul3A_312 = vector.broadcast %squeeze3A_311 : f32 to vector<16xf32>
          %mul3A_313 = arith.mulf %bitcast_convert_type3A_116, %mul3A_312 : vector<16xf32>
          %add3A_314 = arith.addf %mul3A_309, %mul3A_313 : vector<16xf32>
          %slice3A_315 = vector.extract_strided_slice %bitcast_convert_type3A_212 {offsets = [4], sizes = [1], strides = [1]} : vector<16xf32> to vector<1xf32>
          %squeeze3A_316 = vector.extract %slice3A_315[0] : f32 from vector<1xf32>
          %mul3A_317 = vector.broadcast %squeeze3A_316 : f32 to vector<16xf32>
          %mul3A_318 = arith.mulf %bitcast_convert_type3A_131, %mul3A_317 : vector<16xf32>
          %add3A_319 = arith.addf %add3A_314, %mul3A_318 : vector<16xf32>
          %slice3A_320 = vector.extract_strided_slice %add3A_217 {offsets = [4], sizes = [1], strides = [1]} : vector<16xf32> to vector<1xf32>
          %squeeze3A_321 = vector.extract %slice3A_320[0] : f32 from vector<1xf32>
          %add3A_322 = vector.broadcast %squeeze3A_321 : f32 to vector<16xf32>
          %add3A_323 = arith.addf %add3A_136, %add3A_322 : vector<16xf32>
          %mul3A_324 = arith.constant 2.000000e+00 : f32
          %mul3A_325 = vector.broadcast %mul3A_324 : f32 to vector<16xf32>
          %mul3A_326 = arith.mulf %mul3A_325, %add3A_319 : vector<16xf32>
          %sub3A_327 = arith.subf %add3A_323, %mul3A_326 : vector<16xf32>
          %min3A_328 = arith.minimumf %min3A_305, %sub3A_327 : vector<16xf32>
          %slice3A_329 = vector.extract_strided_slice %bitcast_convert_type3A_182 {offsets = [5], sizes = [1], strides = [1]} : vector<16xf32> to vector<1xf32>
          %squeeze3A_330 = vector.extract %slice3A_329[0] : f32 from vector<1xf32>
          %mul3A_331 = vector.broadcast %squeeze3A_330 : f32 to vector<16xf32>
          %mul3A_332 = arith.mulf %bitcast_convert_type3A_101, %mul3A_331 : vector<16xf32>
          %slice3A_333 = vector.extract_strided_slice %bitcast_convert_type3A_197 {offsets = [5], sizes = [1], strides = [1]} : vector<16xf32> to vector<1xf32>
          %squeeze3A_334 = vector.extract %slice3A_333[0] : f32 from vector<1xf32>
          %mul3A_335 = vector.broadcast %squeeze3A_334 : f32 to vector<16xf32>
          %mul3A_336 = arith.mulf %bitcast_convert_type3A_116, %mul3A_335 : vector<16xf32>
          %add3A_337 = arith.addf %mul3A_332, %mul3A_336 : vector<16xf32>
          %slice3A_338 = vector.extract_strided_slice %bitcast_convert_type3A_212 {offsets = [5], sizes = [1], strides = [1]} : vector<16xf32> to vector<1xf32>
          %squeeze3A_339 = vector.extract %slice3A_338[0] : f32 from vector<1xf32>
          %mul3A_340 = vector.broadcast %squeeze3A_339 : f32 to vector<16xf32>
          %mul3A_341 = arith.mulf %bitcast_convert_type3A_131, %mul3A_340 : vector<16xf32>
          %add3A_342 = arith.addf %add3A_337, %mul3A_341 : vector<16xf32>
          %slice3A_343 = vector.extract_strided_slice %add3A_217 {offsets = [5], sizes = [1], strides = [1]} : vector<16xf32> to vector<1xf32>
          %squeeze3A_344 = vector.extract %slice3A_343[0] : f32 from vector<1xf32>
          %add3A_345 = vector.broadcast %squeeze3A_344 : f32 to vector<16xf32>
          %add3A_346 = arith.addf %add3A_136, %add3A_345 : vector<16xf32>
          %mul3A_347 = arith.constant 2.000000e+00 : f32
          %mul3A_348 = vector.broadcast %mul3A_347 : f32 to vector<16xf32>
          %mul3A_349 = arith.mulf %mul3A_348, %add3A_342 : vector<16xf32>
          %sub3A_350 = arith.subf %add3A_346, %mul3A_349 : vector<16xf32>
          %min3A_351 = arith.minimumf %min3A_328, %sub3A_350 : vector<16xf32>
          %slice3A_352 = vector.extract_strided_slice %bitcast_convert_type3A_182 {offsets = [6], sizes = [1], strides = [1]} : vector<16xf32> to vector<1xf32>
          %squeeze3A_353 = vector.extract %slice3A_352[0] : f32 from vector<1xf32>
          %mul3A_354 = vector.broadcast %squeeze3A_353 : f32 to vector<16xf32>
          %mul3A_355 = arith.mulf %bitcast_convert_type3A_101, %mul3A_354 : vector<16xf32>
          %slice3A_356 = vector.extract_strided_slice %bitcast_convert_type3A_197 {offsets = [6], sizes = [1], strides = [1]} : vector<16xf32> to vector<1xf32>
          %squeeze3A_357 = vector.extract %slice3A_356[0] : f32 from vector<1xf32>
          %mul3A_358 = vector.broadcast %squeeze3A_357 : f32 to vector<16xf32>
          %mul3A_359 = arith.mulf %bitcast_convert_type3A_116, %mul3A_358 : vector<16xf32>
          %add3A_360 = arith.addf %mul3A_355, %mul3A_359 : vector<16xf32>
          %slice3A_361 = vector.extract_strided_slice %bitcast_convert_type3A_212 {offsets = [6], sizes = [1], strides = [1]} : vector<16xf32> to vector<1xf32>
          %squeeze3A_362 = vector.extract %slice3A_361[0] : f32 from vector<1xf32>
          %mul3A_363 = vector.broadcast %squeeze3A_362 : f32 to vector<16xf32>
          %mul3A_364 = arith.mulf %bitcast_convert_type3A_131, %mul3A_363 : vector<16xf32>
          %add3A_365 = arith.addf %add3A_360, %mul3A_364 : vector<16xf32>
          %slice3A_366 = vector.extract_strided_slice %add3A_217 {offsets = [6], sizes = [1], strides = [1]} : vector<16xf32> to vector<1xf32>
          %squeeze3A_367 = vector.extract %slice3A_366[0] : f32 from vector<1xf32>
          %add3A_368 = vector.broadcast %squeeze3A_367 : f32 to vector<16xf32>
          %add3A_369 = arith.addf %add3A_136, %add3A_368 : vector<16xf32>
          %mul3A_370 = arith.constant 2.000000e+00 : f32
          %mul3A_371 = vector.broadcast %mul3A_370 : f32 to vector<16xf32>
          %mul3A_372 = arith.mulf %mul3A_371, %add3A_365 : vector<16xf32>
          %sub3A_373 = arith.subf %add3A_369, %mul3A_372 : vector<16xf32>
          %min3A_374 = arith.minimumf %min3A_351, %sub3A_373 : vector<16xf32>
          %slice3A_375 = vector.extract_strided_slice %bitcast_convert_type3A_182 {offsets = [7], sizes = [1], strides = [1]} : vector<16xf32> to vector<1xf32>
          %squeeze3A_376 = vector.extract %slice3A_375[0] : f32 from vector<1xf32>
          %mul3A_377 = vector.broadcast %squeeze3A_376 : f32 to vector<16xf32>
          %mul3A_378 = arith.mulf %bitcast_convert_type3A_101, %mul3A_377 : vector<16xf32>
          %slice3A_379 = vector.extract_strided_slice %bitcast_convert_type3A_197 {offsets = [7], sizes = [1], strides = [1]} : vector<16xf32> to vector<1xf32>
          %squeeze3A_380 = vector.extract %slice3A_379[0] : f32 from vector<1xf32>
          %mul3A_381 = vector.broadcast %squeeze3A_380 : f32 to vector<16xf32>
          %mul3A_382 = arith.mulf %bitcast_convert_type3A_116, %mul3A_381 : vector<16xf32>
          %add3A_383 = arith.addf %mul3A_378, %mul3A_382 : vector<16xf32>
          %slice3A_384 = vector.extract_strided_slice %bitcast_convert_type3A_212 {offsets = [7], sizes = [1], strides = [1]} : vector<16xf32> to vector<1xf32>
          %squeeze3A_385 = vector.extract %slice3A_384[0] : f32 from vector<1xf32>
          %mul3A_386 = vector.broadcast %squeeze3A_385 : f32 to vector<16xf32>
          %mul3A_387 = arith.mulf %bitcast_convert_type3A_131, %mul3A_386 : vector<16xf32>
          %add3A_388 = arith.addf %add3A_383, %mul3A_387 : vector<16xf32>
          %slice3A_389 = vector.extract_strided_slice %add3A_217 {offsets = [7], sizes = [1], strides = [1]} : vector<16xf32> to vector<1xf32>
          %squeeze3A_390 = vector.extract %slice3A_389[0] : f32 from vector<1xf32>
          %add3A_391 = vector.broadcast %squeeze3A_390 : f32 to vector<16xf32>
          %add3A_392 = arith.addf %add3A_136, %add3A_391 : vector<16xf32>
          %mul3A_393 = arith.constant 2.000000e+00 : f32
          %mul3A_394 = vector.broadcast %mul3A_393 : f32 to vector<16xf32>
          %mul3A_395 = arith.mulf %mul3A_394, %add3A_388 : vector<16xf32>
          %sub3A_396 = arith.subf %add3A_392, %mul3A_395 : vector<16xf32>
          %min3A_397 = arith.minimumf %min3A_374, %sub3A_396 : vector<16xf32>
          %slice3A_398 = vector.extract_strided_slice %bitcast_convert_type3A_182 {offsets = [8], sizes = [1], strides = [1]} : vector<16xf32> to vector<1xf32>
          %squeeze3A_399 = vector.extract %slice3A_398[0] : f32 from vector<1xf32>
          %mul3A_400 = vector.broadcast %squeeze3A_399 : f32 to vector<16xf32>
          %mul3A_401 = arith.mulf %bitcast_convert_type3A_101, %mul3A_400 : vector<16xf32>
          %slice3A_402 = vector.extract_strided_slice %bitcast_convert_type3A_197 {offsets = [8], sizes = [1], strides = [1]} : vector<16xf32> to vector<1xf32>
          %squeeze3A_403 = vector.extract %slice3A_402[0] : f32 from vector<1xf32>
          %mul3A_404 = vector.broadcast %squeeze3A_403 : f32 to vector<16xf32>
          %mul3A_405 = arith.mulf %bitcast_convert_type3A_116, %mul3A_404 : vector<16xf32>
          %add3A_406 = arith.addf %mul3A_401, %mul3A_405 : vector<16xf32>
          %slice3A_407 = vector.extract_strided_slice %bitcast_convert_type3A_212 {offsets = [8], sizes = [1], strides = [1]} : vector<16xf32> to vector<1xf32>
          %squeeze3A_408 = vector.extract %slice3A_407[0] : f32 from vector<1xf32>
          %mul3A_409 = vector.broadcast %squeeze3A_408 : f32 to vector<16xf32>
          %mul3A_410 = arith.mulf %bitcast_convert_type3A_131, %mul3A_409 : vector<16xf32>
          %add3A_411 = arith.addf %add3A_406, %mul3A_410 : vector<16xf32>
          %slice3A_412 = vector.extract_strided_slice %add3A_217 {offsets = [8], sizes = [1], strides = [1]} : vector<16xf32> to vector<1xf32>
          %squeeze3A_413 = vector.extract %slice3A_412[0] : f32 from vector<1xf32>
          %add3A_414 = vector.broadcast %squeeze3A_413 : f32 to vector<16xf32>
          %add3A_415 = arith.addf %add3A_136, %add3A_414 : vector<16xf32>
          %mul3A_416 = arith.constant 2.000000e+00 : f32
          %mul3A_417 = vector.broadcast %mul3A_416 : f32 to vector<16xf32>
          %mul3A_418 = arith.mulf %mul3A_417, %add3A_411 : vector<16xf32>
          %sub3A_419 = arith.subf %add3A_415, %mul3A_418 : vector<16xf32>
          %min3A_420 = arith.minimumf %min3A_397, %sub3A_419 : vector<16xf32>
          %slice3A_421 = vector.extract_strided_slice %bitcast_convert_type3A_182 {offsets = [9], sizes = [1], strides = [1]} : vector<16xf32> to vector<1xf32>
          %squeeze3A_422 = vector.extract %slice3A_421[0] : f32 from vector<1xf32>
          %mul3A_423 = vector.broadcast %squeeze3A_422 : f32 to vector<16xf32>
          %mul3A_424 = arith.mulf %bitcast_convert_type3A_101, %mul3A_423 : vector<16xf32>
          %slice3A_425 = vector.extract_strided_slice %bitcast_convert_type3A_197 {offsets = [9], sizes = [1], strides = [1]} : vector<16xf32> to vector<1xf32>
          %squeeze3A_426 = vector.extract %slice3A_425[0] : f32 from vector<1xf32>
          %mul3A_427 = vector.broadcast %squeeze3A_426 : f32 to vector<16xf32>
          %mul3A_428 = arith.mulf %bitcast_convert_type3A_116, %mul3A_427 : vector<16xf32>
          %add3A_429 = arith.addf %mul3A_424, %mul3A_428 : vector<16xf32>
          %slice3A_430 = vector.extract_strided_slice %bitcast_convert_type3A_212 {offsets = [9], sizes = [1], strides = [1]} : vector<16xf32> to vector<1xf32>
          %squeeze3A_431 = vector.extract %slice3A_430[0] : f32 from vector<1xf32>
          %mul3A_432 = vector.broadcast %squeeze3A_431 : f32 to vector<16xf32>
          %mul3A_433 = arith.mulf %bitcast_convert_type3A_131, %mul3A_432 : vector<16xf32>
          %add3A_434 = arith.addf %add3A_429, %mul3A_433 : vector<16xf32>
          %slice3A_435 = vector.extract_strided_slice %add3A_217 {offsets = [9], sizes = [1], strides = [1]} : vector<16xf32> to vector<1xf32>
          %squeeze3A_436 = vector.extract %slice3A_435[0] : f32 from vector<1xf32>
          %add3A_437 = vector.broadcast %squeeze3A_436 : f32 to vector<16xf32>
          %add3A_438 = arith.addf %add3A_136, %add3A_437 : vector<16xf32>
          %mul3A_439 = arith.constant 2.000000e+00 : f32
          %mul3A_440 = vector.broadcast %mul3A_439 : f32 to vector<16xf32>
          %mul3A_441 = arith.mulf %mul3A_440, %add3A_434 : vector<16xf32>
          %sub3A_442 = arith.subf %add3A_438, %mul3A_441 : vector<16xf32>
          %min3A_443 = arith.minimumf %min3A_420, %sub3A_442 : vector<16xf32>
          %slice3A_444 = vector.extract_strided_slice %bitcast_convert_type3A_182 {offsets = [10], sizes = [1], strides = [1]} : vector<16xf32> to vector<1xf32>
          %squeeze3A_445 = vector.extract %slice3A_444[0] : f32 from vector<1xf32>
          %mul3A_446 = vector.broadcast %squeeze3A_445 : f32 to vector<16xf32>
          %mul3A_447 = arith.mulf %bitcast_convert_type3A_101, %mul3A_446 : vector<16xf32>
          %slice3A_448 = vector.extract_strided_slice %bitcast_convert_type3A_197 {offsets = [10], sizes = [1], strides = [1]} : vector<16xf32> to vector<1xf32>
          %squeeze3A_449 = vector.extract %slice3A_448[0] : f32 from vector<1xf32>
          %mul3A_450 = vector.broadcast %squeeze3A_449 : f32 to vector<16xf32>
          %mul3A_451 = arith.mulf %bitcast_convert_type3A_116, %mul3A_450 : vector<16xf32>
          %add3A_452 = arith.addf %mul3A_447, %mul3A_451 : vector<16xf32>
          %slice3A_453 = vector.extract_strided_slice %bitcast_convert_type3A_212 {offsets = [10], sizes = [1], strides = [1]} : vector<16xf32> to vector<1xf32>
          %squeeze3A_454 = vector.extract %slice3A_453[0] : f32 from vector<1xf32>
          %mul3A_455 = vector.broadcast %squeeze3A_454 : f32 to vector<16xf32>
          %mul3A_456 = arith.mulf %bitcast_convert_type3A_131, %mul3A_455 : vector<16xf32>
          %add3A_457 = arith.addf %add3A_452, %mul3A_456 : vector<16xf32>
          %slice3A_458 = vector.extract_strided_slice %add3A_217 {offsets = [10], sizes = [1], strides = [1]} : vector<16xf32> to vector<1xf32>
          %squeeze3A_459 = vector.extract %slice3A_458[0] : f32 from vector<1xf32>
          %add3A_460 = vector.broadcast %squeeze3A_459 : f32 to vector<16xf32>
          %add3A_461 = arith.addf %add3A_136, %add3A_460 : vector<16xf32>
          %mul3A_462 = arith.constant 2.000000e+00 : f32
          %mul3A_463 = vector.broadcast %mul3A_462 : f32 to vector<16xf32>
          %mul3A_464 = arith.mulf %mul3A_463, %add3A_457 : vector<16xf32>
          %sub3A_465 = arith.subf %add3A_461, %mul3A_464 : vector<16xf32>
          %min3A_466 = arith.minimumf %min3A_443, %sub3A_465 : vector<16xf32>
          %slice3A_467 = vector.extract_strided_slice %bitcast_convert_type3A_182 {offsets = [11], sizes = [1], strides = [1]} : vector<16xf32> to vector<1xf32>
          %squeeze3A_468 = vector.extract %slice3A_467[0] : f32 from vector<1xf32>
          %mul3A_469 = vector.broadcast %squeeze3A_468 : f32 to vector<16xf32>
          %mul3A_470 = arith.mulf %bitcast_convert_type3A_101, %mul3A_469 : vector<16xf32>
          %slice3A_471 = vector.extract_strided_slice %bitcast_convert_type3A_197 {offsets = [11], sizes = [1], strides = [1]} : vector<16xf32> to vector<1xf32>
          %squeeze3A_472 = vector.extract %slice3A_471[0] : f32 from vector<1xf32>
          %mul3A_473 = vector.broadcast %squeeze3A_472 : f32 to vector<16xf32>
          %mul3A_474 = arith.mulf %bitcast_convert_type3A_116, %mul3A_473 : vector<16xf32>
          %add3A_475 = arith.addf %mul3A_470, %mul3A_474 : vector<16xf32>
          %slice3A_476 = vector.extract_strided_slice %bitcast_convert_type3A_212 {offsets = [11], sizes = [1], strides = [1]} : vector<16xf32> to vector<1xf32>
          %squeeze3A_477 = vector.extract %slice3A_476[0] : f32 from vector<1xf32>
          %mul3A_478 = vector.broadcast %squeeze3A_477 : f32 to vector<16xf32>
          %mul3A_479 = arith.mulf %bitcast_convert_type3A_131, %mul3A_478 : vector<16xf32>
          %add3A_480 = arith.addf %add3A_475, %mul3A_479 : vector<16xf32>
          %slice3A_481 = vector.extract_strided_slice %add3A_217 {offsets = [11], sizes = [1], strides = [1]} : vector<16xf32> to vector<1xf32>
          %squeeze3A_482 = vector.extract %slice3A_481[0] : f32 from vector<1xf32>
          %add3A_483 = vector.broadcast %squeeze3A_482 : f32 to vector<16xf32>
          %add3A_484 = arith.addf %add3A_136, %add3A_483 : vector<16xf32>
          %mul3A_485 = arith.constant 2.000000e+00 : f32
          %mul3A_486 = vector.broadcast %mul3A_485 : f32 to vector<16xf32>
          %mul3A_487 = arith.mulf %mul3A_486, %add3A_480 : vector<16xf32>
          %sub3A_488 = arith.subf %add3A_484, %mul3A_487 : vector<16xf32>
          %min3A_489 = arith.minimumf %min3A_466, %sub3A_488 : vector<16xf32>
          %slice3A_490 = vector.extract_strided_slice %bitcast_convert_type3A_182 {offsets = [12], sizes = [1], strides = [1]} : vector<16xf32> to vector<1xf32>
          %squeeze3A_491 = vector.extract %slice3A_490[0] : f32 from vector<1xf32>
          %mul3A_492 = vector.broadcast %squeeze3A_491 : f32 to vector<16xf32>
          %mul3A_493 = arith.mulf %bitcast_convert_type3A_101, %mul3A_492 : vector<16xf32>
          %slice3A_494 = vector.extract_strided_slice %bitcast_convert_type3A_197 {offsets = [12], sizes = [1], strides = [1]} : vector<16xf32> to vector<1xf32>
          %squeeze3A_495 = vector.extract %slice3A_494[0] : f32 from vector<1xf32>
          %mul3A_496 = vector.broadcast %squeeze3A_495 : f32 to vector<16xf32>
          %mul3A_497 = arith.mulf %bitcast_convert_type3A_116, %mul3A_496 : vector<16xf32>
          %add3A_498 = arith.addf %mul3A_493, %mul3A_497 : vector<16xf32>
          %slice3A_499 = vector.extract_strided_slice %bitcast_convert_type3A_212 {offsets = [12], sizes = [1], strides = [1]} : vector<16xf32> to vector<1xf32>
          %squeeze3A_500 = vector.extract %slice3A_499[0] : f32 from vector<1xf32>
          %mul3A_501 = vector.broadcast %squeeze3A_500 : f32 to vector<16xf32>
          %mul3A_502 = arith.mulf %bitcast_convert_type3A_131, %mul3A_501 : vector<16xf32>
          %add3A_503 = arith.addf %add3A_498, %mul3A_502 : vector<16xf32>
          %slice3A_504 = vector.extract_strided_slice %add3A_217 {offsets = [12], sizes = [1], strides = [1]} : vector<16xf32> to vector<1xf32>
          %squeeze3A_505 = vector.extract %slice3A_504[0] : f32 from vector<1xf32>
          %add3A_506 = vector.broadcast %squeeze3A_505 : f32 to vector<16xf32>
          %add3A_507 = arith.addf %add3A_136, %add3A_506 : vector<16xf32>
          %mul3A_508 = arith.constant 2.000000e+00 : f32
          %mul3A_509 = vector.broadcast %mul3A_508 : f32 to vector<16xf32>
          %mul3A_510 = arith.mulf %mul3A_509, %add3A_503 : vector<16xf32>
          %sub3A_511 = arith.subf %add3A_507, %mul3A_510 : vector<16xf32>
          %min3A_512 = arith.minimumf %min3A_489, %sub3A_511 : vector<16xf32>
          %slice3A_513 = vector.extract_strided_slice %bitcast_convert_type3A_182 {offsets = [13], sizes = [1], strides = [1]} : vector<16xf32> to vector<1xf32>
          %squeeze3A_514 = vector.extract %slice3A_513[0] : f32 from vector<1xf32>
          %mul3A_515 = vector.broadcast %squeeze3A_514 : f32 to vector<16xf32>
          %mul3A_516 = arith.mulf %bitcast_convert_type3A_101, %mul3A_515 : vector<16xf32>
          %slice3A_517 = vector.extract_strided_slice %bitcast_convert_type3A_197 {offsets = [13], sizes = [1], strides = [1]} : vector<16xf32> to vector<1xf32>
          %squeeze3A_518 = vector.extract %slice3A_517[0] : f32 from vector<1xf32>
          %mul3A_519 = vector.broadcast %squeeze3A_518 : f32 to vector<16xf32>
          %mul3A_520 = arith.mulf %bitcast_convert_type3A_116, %mul3A_519 : vector<16xf32>
          %add3A_521 = arith.addf %mul3A_516, %mul3A_520 : vector<16xf32>
          %slice3A_522 = vector.extract_strided_slice %bitcast_convert_type3A_212 {offsets = [13], sizes = [1], strides = [1]} : vector<16xf32> to vector<1xf32>
          %squeeze3A_523 = vector.extract %slice3A_522[0] : f32 from vector<1xf32>
          %mul3A_524 = vector.broadcast %squeeze3A_523 : f32 to vector<16xf32>
          %mul3A_525 = arith.mulf %bitcast_convert_type3A_131, %mul3A_524 : vector<16xf32>
          %add3A_526 = arith.addf %add3A_521, %mul3A_525 : vector<16xf32>
          %slice3A_527 = vector.extract_strided_slice %add3A_217 {offsets = [13], sizes = [1], strides = [1]} : vector<16xf32> to vector<1xf32>
          %squeeze3A_528 = vector.extract %slice3A_527[0] : f32 from vector<1xf32>
          %add3A_529 = vector.broadcast %squeeze3A_528 : f32 to vector<16xf32>
          %add3A_530 = arith.addf %add3A_136, %add3A_529 : vector<16xf32>
          %mul3A_531 = arith.constant 2.000000e+00 : f32
          %mul3A_532 = vector.broadcast %mul3A_531 : f32 to vector<16xf32>
          %mul3A_533 = arith.mulf %mul3A_532, %add3A_526 : vector<16xf32>
          %sub3A_534 = arith.subf %add3A_530, %mul3A_533 : vector<16xf32>
          %min3A_535 = arith.minimumf %min3A_512, %sub3A_534 : vector<16xf32>
          %slice3A_536 = vector.extract_strided_slice %bitcast_convert_type3A_182 {offsets = [14], sizes = [1], strides = [1]} : vector<16xf32> to vector<1xf32>
          %squeeze3A_537 = vector.extract %slice3A_536[0] : f32 from vector<1xf32>
          %mul3A_538 = vector.broadcast %squeeze3A_537 : f32 to vector<16xf32>
          %mul3A_539 = arith.mulf %bitcast_convert_type3A_101, %mul3A_538 : vector<16xf32>
          %slice3A_540 = vector.extract_strided_slice %bitcast_convert_type3A_197 {offsets = [14], sizes = [1], strides = [1]} : vector<16xf32> to vector<1xf32>
          %squeeze3A_541 = vector.extract %slice3A_540[0] : f32 from vector<1xf32>
          %mul3A_542 = vector.broadcast %squeeze3A_541 : f32 to vector<16xf32>
          %mul3A_543 = arith.mulf %bitcast_convert_type3A_116, %mul3A_542 : vector<16xf32>
          %add3A_544 = arith.addf %mul3A_539, %mul3A_543 : vector<16xf32>
          %slice3A_545 = vector.extract_strided_slice %bitcast_convert_type3A_212 {offsets = [14], sizes = [1], strides = [1]} : vector<16xf32> to vector<1xf32>
          %squeeze3A_546 = vector.extract %slice3A_545[0] : f32 from vector<1xf32>
          %mul3A_547 = vector.broadcast %squeeze3A_546 : f32 to vector<16xf32>
          %mul3A_548 = arith.mulf %bitcast_convert_type3A_131, %mul3A_547 : vector<16xf32>
          %add3A_549 = arith.addf %add3A_544, %mul3A_548 : vector<16xf32>
          %slice3A_550 = vector.extract_strided_slice %add3A_217 {offsets = [14], sizes = [1], strides = [1]} : vector<16xf32> to vector<1xf32>
          %squeeze3A_551 = vector.extract %slice3A_550[0] : f32 from vector<1xf32>
          %add3A_552 = vector.broadcast %squeeze3A_551 : f32 to vector<16xf32>
          %add3A_553 = arith.addf %add3A_136, %add3A_552 : vector<16xf32>
          %mul3A_554 = arith.constant 2.000000e+00 : f32
          %mul3A_555 = vector.broadcast %mul3A_554 : f32 to vector<16xf32>
          %mul3A_556 = arith.mulf %mul3A_555, %add3A_549 : vector<16xf32>
          %sub3A_557 = arith.subf %add3A_553, %mul3A_556 : vector<16xf32>
          %min3A_558 = arith.minimumf %min3A_535, %sub3A_557 : vector<16xf32>
          %slice3A_559 = vector.extract_strided_slice %bitcast_convert_type3A_182 {offsets = [15], sizes = [1], strides = [1]} : vector<16xf32> to vector<1xf32>
          %squeeze3A_560 = vector.extract %slice3A_559[0] : f32 from vector<1xf32>
          %mul3A_561 = vector.broadcast %squeeze3A_560 : f32 to vector<16xf32>
          %mul3A_562 = arith.mulf %bitcast_convert_type3A_101, %mul3A_561 : vector<16xf32>
          %slice3A_563 = vector.extract_strided_slice %bitcast_convert_type3A_197 {offsets = [15], sizes = [1], strides = [1]} : vector<16xf32> to vector<1xf32>
          %squeeze3A_564 = vector.extract %slice3A_563[0] : f32 from vector<1xf32>
          %mul3A_565 = vector.broadcast %squeeze3A_564 : f32 to vector<16xf32>
          %mul3A_566 = arith.mulf %bitcast_convert_type3A_116, %mul3A_565 : vector<16xf32>
          %add3A_567 = arith.addf %mul3A_562, %mul3A_566 : vector<16xf32>
          %slice3A_568 = vector.extract_strided_slice %bitcast_convert_type3A_212 {offsets = [15], sizes = [1], strides = [1]} : vector<16xf32> to vector<1xf32>
          %squeeze3A_569 = vector.extract %slice3A_568[0] : f32 from vector<1xf32>
          %mul3A_570 = vector.broadcast %squeeze3A_569 : f32 to vector<16xf32>
          %mul3A_571 = arith.mulf %bitcast_convert_type3A_131, %mul3A_570 : vector<16xf32>
          %add3A_572 = arith.addf %add3A_567, %mul3A_571 : vector<16xf32>
          %slice3A_573 = vector.extract_strided_slice %add3A_217 {offsets = [15], sizes = [1], strides = [1]} : vector<16xf32> to vector<1xf32>
          %squeeze3A_574 = vector.extract %slice3A_573[0] : f32 from vector<1xf32>
          %add3A_575 = vector.broadcast %squeeze3A_574 : f32 to vector<16xf32>
          %add3A_576 = arith.addf %add3A_136, %add3A_575 : vector<16xf32>
          %mul3A_577 = arith.constant 2.000000e+00 : f32
          %mul3A_578 = vector.broadcast %mul3A_577 : f32 to vector<16xf32>
          %mul3A_579 = arith.mulf %mul3A_578, %add3A_572 : vector<16xf32>
          %sub3A_580 = arith.subf %add3A_576, %mul3A_579 : vector<16xf32>
          %min3A_581 = arith.minimumf %min3A_558, %sub3A_580 : vector<16xf32>
          scf.yield %min3A_581 : vector<16xf32>
        }
        %scan3A_144 = arith.constant 128 : i32
        %max3A = arith.constant 0.000000e+00 : f32
        %max3A_145 = vector.broadcast %max3A : f32 to vector<16xf32>
        %max3A_146 = arith.maximumf %scan3A_143, %max3A_145 : vector<16xf32>
        %add3A_147 = arith.addf %scan3A_75, %max3A_146 : vector<16xf32>
        scf.yield %add3A_147 : vector<16xf32>
      }
      %scan3A_73 = arith.constant 4 : i32
      scf.yield %scan3A_72 : vector<16xf32>
    }
    %scan3A_6 = arith.constant 4 : i32
    %swap3A = arith.constant 0 : i32
    %swap3A_7 = arith.index_cast %swap3A : i32 to index
    %swap3A_8 = arith.constant 0 : index
    %swap3A_9 = tpu.vector_load %arg7[%swap3A_7, %swap3A_8] {strides = array<i32>} : memref<1x16xf32, #tpu.memory_space<vmem>>, vector<16xf32>,
    tpu.vector_store %arg7[%swap3A_7, %swap3A_8], %scan3A_5 {strides = array<i32>} : memref<1x16xf32, #tpu.memory_space<vmem>>, vector<16xf32>,
    %dma_start3A = arith.constant 0 : i32
    %dma_start3A_10 = arith.constant 0 : i32
    %dma_start3A_11 = tpu.memref_slice %arg4[%arg0, %arg1, %dma_start3A, %dma_start3A_10] : memref<2x16x1x16xf32, #tpu.memory_space<hbm>> -> memref<1x1x1x16xf32, #tpu.memory_space<hbm>>
    %dma_start3A_12 = tpu.memref_squeeze %dma_start3A_11 : memref<1x1x1x16xf32, #tpu.memory_space<hbm>> -> memref<1x16xf32, #tpu.memory_space<hbm>>
    %dma_start3A_13 = arith.constant 0 : i32
    %dma_start3A_14 = arith.constant 0 : i32
    %dma_start3A_15 = tpu.memref_slice %arg4[%arg0, %arg1, %dma_start3A_13, %dma_start3A_14] : memref<2x16x1x16xf32, #tpu.memory_space<hbm>> -> memref<1x1x1x16xf32, #tpu.memory_space<hbm>>
    %dma_start3A_16 = tpu.memref_squeeze %dma_start3A_15 : memref<1x1x1x16xf32, #tpu.memory_space<hbm>> -> memref<1x16xf32, #tpu.memory_space<hbm>>
    tpu.enqueue_dma source(%arg7 : memref<1x16xf32, #tpu.memory_space<vmem>>) target(%dma_start3A_16 : memref<1x16xf32, #tpu.memory_space<hbm>>) target_semaphore(%arg8 : memref<!tpu.dma_semaphore, #tpu.memory_space<semaphore_mem>>)
    %dma_wait3A = arith.constant 0 : i32
    %dma_wait3A_17 = arith.constant 0 : i32
    %dma_wait3A_18 = tpu.memref_slice %arg4[%arg0, %arg1, %dma_wait3A, %dma_wait3A_17] : memref<2x16x1x16xf32, #tpu.memory_space<hbm>> -> memref<1x1x1x16xf32, #tpu.memory_space<hbm>>
    %dma_wait3A_19 = tpu.memref_squeeze %dma_wait3A_18 : memref<1x1x1x16xf32, #tpu.memory_space<hbm>> -> memref<1x16xf32, #tpu.memory_space<hbm>>
    %dma_wait3A_20 = arith.constant 0 : i32
    %dma_wait3A_21 = arith.constant 0 : i32
    %dma_wait3A_22 = tpu.memref_slice %arg4[%arg0, %arg1, %dma_wait3A_20, %dma_wait3A_21] : memref<2x16x1x16xf32, #tpu.memory_space<hbm>> -> memref<1x1x1x16xf32, #tpu.memory_space<hbm>>
    %dma_wait3A_23 = tpu.memref_squeeze %dma_wait3A_22 : memref<1x1x1x16xf32, #tpu.memory_space<hbm>> -> memref<1x16xf32, #tpu.memory_space<hbm>>
    tpu.wait_dma2 semaphore(%arg8 : memref<!tpu.dma_semaphore, #tpu.memory_space<semaphore_mem>>) src(%arg7 : memref<1x16xf32, #tpu.memory_space<vmem>>) dst(%dma_wait3A_23 : memref<1x16xf32, #tpu.memory_space<hbm>>)
    return
  }
}

</mosaic_0001>

<sc_bundles>
// kernel: kernel.3.cloned.1.call-start
scs
__scs_entry_jumppad:
0x0: {  	(pc) =	sbr.rel $0x88, $3  }
0x1: {  	(tag) =	ssettag $0x0;
	lr =	simm.s32 $0x1  }
0x2: {  	[smem:$0x3F9F] =	sst lr;
	_ =	strace $0xD0000000  }
0x3: {  	_ = 	snop  }
0x4: {  	_ = 	snop  }
0x5: {  	_ = 	snop  }
0x6: {  	_ = 	snop  }
0x7: {  	_ = 	snop  }
__scs_overlays_trampoline_lowered:
0x8: {  	[smem:$0x3FAE] =	sst s0  }
0x9: {  	[smem:$0x3FAF] =	sst s1  }
0xa: {  	[smem:$0x3FB0] =	sst s2  }
0xb: {  	[smem:$0x3FB1] =	sst s3  }
0xc: {  	[smem:$0x3FB2] =	sst s4  }
0xd: {  	[smem:$0x3FB3] =	sst s5  }
0xe: {  	[smem:$0x3FB4] =	sst s6  }
0xf: {  	[smem:$0x3FB5] =	sst s7  }
0x10: {  	[smem:$0x3FB6] =	sst s8  }
0x11: {  	[smem:$0x3FB7] =	sst s9;
	s0 =	simm.s32 @!p0 $0x0  }
0x12: {  	s1 =	sld [smem:$0x3F9D];
	s0 =	simm.s32 @p0 $0x1  }
0x13: {  	[smem:$0x3FB8] =	sst s0;
	s0 =	simm.s32 @!p1 $0x0  }
0x14: {  	s2 =	sld [smem:$0x3F9C];
	s0 =	simm.s32 @p1 $0x1  }
0x15: {  	[smem:$0x3FB9] =	sst s0;
	s0 =	simm.s32 @!p2 $0x0  }
0x16: {  	s3 =	sld [smem:$0x3FDB];
	s0 =	simm.s32 @p2 $0x1  }
0x17: {  	s4 =	simm.s32 $0x1BF5;
	[smem:$0x3FBB] =	sst s0  }
0x18: {  	s0 =	sld [smem:$0x3F9E];
	_ =	swait.ge [sflag:s4], $0x0  }
0x19: {  	s7 =	sld [smem:$0x3F9F]  }
0x1a: {  	s8 =	sadd.s32 $0xFFFFE003, lr  }
0x1b: {  	s9 =	sadd.s32 $0xFFFFFEF7, lr;
	s5 =	simm.s32 $0xFFFFFFFF;
	p2 =	slt.u32 s8, $0xFFFFF086  }
0x1c: {  	p1 =	slt.u32 s9, $0xF7A;
	s5 =	simm.s32 @!p2 $0x0  }
0x1d: {  	s5 =	simm.s32 @p1 $0x1;
	p0 =	seq.s32 s7, s2  }
0x1e: {  	s7 =	smul.u32 @!p0 $0xF7A, s2;
	p2 =	seq.s32 @!p0 s5, $0x0  }
0x1f: {  	s9 =	smul.u32 $0xF7A, s1;
	s8 =	simm.s32 @!p0 $0x1BF5;
	p2 =	por !p2, p0  }
0x20: {  	[sflag:s8] =	ssyncset.s32 @!p0 $0xFFFFF086;
	s6 =	sadd.s32 @!p0 s3, s7;
	s7 =	simm.s32 @!p0 $0x108  }
0x21: {  	s3 =	sadd.s32 s3, s9;
	s6 =	sadd.s32 @!p0 $0x88, s6;
	s7 =	simm.s32 @p2 $0x1082  }
0x22: {  	[simem:s7], [sflag:s8] =	dma.local @!p0 [hbm:s6], $0xF7A  }
0x23: {  	s9 =	sor.u32 $0xD0000000, s2;
	s6 =	simm.s32 $0x108;
	_ =	swait.ge @!p0 [sflag:s8], $0x0  }
0x24: {  	s3 =	sadd.s32 $0x88, s3;
	s6 =	simm.s32 @!p1 $0x1082;
	[sflag:s4] =	ssyncset.s32 $0xFFFFF086  }
0x25: {  	[simem:s6], [sflag:s4] =	dma.local [hbm:s3], $0xF7A  }
0x26: {  	[smem:$0x3F9F] =	sst s1;
	(tag) =	ssettag s2;
	_ =	strace s9  }
0x27: {  	s1 =	sld [smem:$0x3FAF]  }
0x28: {  	s2 =	sld [smem:$0x3FB0]  }
0x29: {  	s4 =	sld [smem:$0x3FB2]  }
0x2a: {  	p0 =	seq.s32 s5, $0x0;
	s5 =	sld [smem:$0x3FB3]  }
0x2b: {  	s6 =	sld [smem:$0x3FB4]  }
0x2c: {  	s7 =	sld [smem:$0x3FB5]  }
0x2d: {  	s3 =	simm.s32 $0x108;
	s8 =	sld [smem:$0x3FB6]  }
0x2e: {  	s3 =	simm.s32 @!p0 $0x1082;
	s9 =	sld [smem:$0x3FB7]  }
0x2f: {  	lr =	sadd.s32 s0, s3;
	s0 =	sld [smem:$0x3FAE]  }
0x30: {  	s3 =	sld [smem:$0x3FB1]  }
0x31: {  	[smem:$0x3FBA] =	sst s10  }
0x32: {  	s10 =	sld [smem:$0x3FB8];
	_ =	sdelay $0x3  }
0x33: {  	p0 =	seq.s32 s10, $0x1;
	s10 =	sld [smem:$0x3FBA];
	_ =	sdelay $0x3  }
0x34: {  	[smem:$0x3FBA] =	sst s10  }
0x35: {  	s10 =	sld [smem:$0x3FB9];
	_ =	sdelay $0x3  }
0x36: {  	p1 =	seq.s32 s10, $0x1;
	s10 =	sld [smem:$0x3FBA];
	_ =	sdelay $0x3  }
0x37: {  	[smem:$0x3FBA] =	sst s10  }
0x38: {  	s10 =	sld [smem:$0x3FBB]  }
0x39: {  	_ = 	snop;
	(pc) =	sbr.ind lr, $3  }
0x3a: {  	_ = 	snop  }
0x3b: {  	_ = 	snop  }
0x3c: {  	p2 =	seq.s32 s10, $0x1;
	s10 =	sld [smem:$0x3FBA]  }
0x3d: {  	_ =	shalt  }
0x3e: {  	_ =	shalt  }
0x3f: {  	_ =	shalt  }
0x40: {  	_ =	shalt  }
0x41: {  	_ =	shalt  }
0x42: {  	_ =	shalt  }
0x43: {  	_ =	shalt  }
0x44: {  	_ =	shalt  }
0x45: {  	_ =	shalt  }
0x46: {  	_ =	shalt  }
0x47: {  	_ =	shalt  }
0x48: {  	_ =	shalt  }
0x49: {  	_ =	shalt  }
0x4a: {  	_ =	shalt  }
0x4b: {  	_ =	shalt  }
0x4c: {  	_ =	shalt  }
0x4d: {  	_ =	shalt  }
0x4e: {  	_ =	shalt  }
0x4f: {  	_ =	shalt  }
0x50: {  	_ =	shalt  }
0x51: {  	_ =	shalt  }
0x52: {  	_ =	shalt  }
0x53: {  	_ =	shalt  }
0x54: {  	_ =	shalt  }
0x55: {  	_ =	shalt  }
0x56: {  	_ =	shalt  }
0x57: {  	_ =	shalt  }
0x58: {  	_ =	shalt  }
0x59: {  	_ =	shalt  }
0x5a: {  	_ =	shalt  }
0x5b: {  	_ =	shalt  }
0x5c: {  	_ =	shalt  }
0x5d: {  	_ =	shalt  }
0x5e: {  	_ =	shalt  }
0x5f: {  	_ =	shalt  }
0x60: {  	_ =	shalt  }
0x61: {  	_ =	shalt  }
0x62: {  	_ =	shalt  }
0x63: {  	_ =	shalt  }
0x64: {  	_ =	shalt  }
0x65: {  	_ =	shalt  }
0x66: {  	_ =	shalt  }
0x67: {  	_ =	shalt  }
0x68: {  	_ =	shalt  }
0x69: {  	_ =	shalt  }
0x6a: {  	_ =	shalt  }
0x6b: {  	_ =	shalt  }
0x6c: {  	_ =	shalt  }
0x6d: {  	_ =	shalt  }
0x6e: {  	_ =	shalt  }
0x6f: {  	_ =	shalt  }
0x70: {  	_ =	shalt  }
0x71: {  	_ =	shalt  }
0x72: {  	_ =	shalt  }
0x73: {  	_ =	shalt  }
0x74: {  	_ =	shalt  }
0x75: {  	_ =	shalt  }
0x76: {  	_ =	shalt  }
0x77: {  	_ =	shalt  }
0x78: {  	_ =	shalt  }
0x79: {  	_ =	shalt  }
0x7a: {  	_ =	shalt  }
0x7b: {  	_ =	shalt  }
0x7c: {  	_ =	shalt  }
0x7d: {  	_ =	shalt  }
0x7e: {  	_ =	shalt  }
0x7f: {  	_ =	shalt  }
0x80: {  	_ =	shalt  }
0x81: {  	_ =	shalt  }
0x82: {  	_ =	shalt  }
0x83: {  	_ =	shalt  }
0x84: {  	_ =	shalt  }
0x85: {  	_ =	shalt  }
0x86: {  	_ =	shalt  }
0x87: {  	_ =	shalt  }
.Lfunc_end0:
.L_simem_size_0:
called_computation_lowered:
.L_overlay_start_0:
0x88: {  	s2 =	sld [smem:$0x3FD9]  }
0x89: {  	s3 =	sld [smem:$0x3FFE];
	_ =	sdelay $0x1  }
0x8a: {  	s1 =	srdreg.scid  }
0x8b: {  	s0 =	sand.u32 $0x1, s1  }
0x8c: {  	s16 =	sshll.u32 s0, $0xA;
	s2 =	sadd.s32 s3, s2  }
0x8d: {  	s2 =	sadd.s32 s2, s16  }
0x8e: {  	[smem:$0x3FC6] =	sst s2  }
0x8f: {  	_ = 	snop  }
0x90: {  	(tm) =	ssettm $0x1  }
0x91: {  	s17 =	sld [smem:$0x3FFB];
	_ =	sdelay $0x3  }
0x92: {  	_ =	strace s17  }
0x93: {  	s2 =	sld [smem:$0x3FFC];
	_ =	sdelay $0x3  }
0x94: {  	_ =	strace s2  }
0x95: {  	s2 =	sld [smem:$0x3FFD];
	_ =	sdelay $0x3  }
0x96: {  	_ =	strace s2  }
0x97: {  	_ =	strace $0x8FFFFFFF  }
0x98: {  	s18 =	sld [smem:$0x3FDB];
	_ =	sdelay $0x1  }
0x99: {  	s19 =	simm.s32 $_scs_section_size  }
0x9a: {  	s4 =	simm.s32 $_size__tile_overlayer_lowered;
	s5 =	simm.s32 $_tile_overlayer_lowered  }
0x9b: {  	s22 =	simm.s32 $0x1BFF;
	s21 =	sshll.u32 s5, $0x1;
	s2 =	sadd.s32 s19, s18  }
0x9c: {  	s6 =	simm.s32 $0x0;
	s20 =	sshll.u32 s4, $0x1;
	s4 =	sadd.s32 s21, s2  }
0x9d: {  	[timem:s6], [sflag:s22] =	dma.local [hbm:s4], s20  }
0x9e: {  	_ =	swait.ge [sflag:s22], s20  }
0x9f: {  	s3 =	ssub.s32 $0x0, s20;
	[sflag:s22] =	ssyncset.done $0x0  }
0xa0: {  	[sflag:s22] =	ssyncadd.s32 s3;
	_ =	sdelay $0x1  }
0xa1: {  	s23 =	simm.s32 $0x1B8B  }
0xa2: {  	_ =	swait.ge [sflag:s23], $0x1  }
0xa3: {  	[sflag:s23] =	ssyncset.done $0x0  }
0xa4: {  	s25 =	simm.s32 $0x1B8E;
	s24 =	sld [smem:$0x3FFE];
	[sflag:s23] =	ssyncadd.s32 $0xFFFFFFFF  }
0xa5: {  	s26 =	simm.s32 $execute0_lowered;
	[smem:$0x3FD2] =	sst s25  }
0xa6: {  	s4 =	sshll.u32 s26, $0x1;
	_ =	strace $0x80000046;
	[dreg:$0x1] =	wrdreg $0xFFFFFFFF  }
0xa7: {  	s28 =	simm.s32 $_size_execute0_lowered;
	s2 =	sadd.s32 s2, s4;
	[dreg:$0x0] =	wrdreg $0x0  }
0xa8: {  	s4 =	sshll.u32 s28, $0x1;
	[dreg:$0x2] =	wrdreg s2  }
0xa9: {  	[dreg:$0x3] =	wrdreg s4  }
0xaa: {  	[dreg:$0x4] =	wrdreg $0xC0  }
0xab: {  	_ =	task [dreg:s6], $0x5FFFF  }
0xac: {  	[dreg:$0x1] =	wrdreg $0xFFFFFFFF  }
0xad: {  	[dreg:$0x0] =	wrdreg $0x60  }
0xae: {  	[dreg:$0x2] =	wrdreg s24  }
0xaf: {  	[dreg:$0x3] =	wrdreg $0x9  }
0xb0: {  	_ =	task.clear_ibuf [dreg:s6], $0x4FFFF;
	_ =	strace $0x90000046  }
0xb1: {  	s29 =	simm.s32 $0x9;
	_ =	strace $0x80000048  }
0xb2: {  	_ =	swait.ge [sflag:s29], $0x1  }
0xb3: {  	[sflag:s29] =	ssyncadd.s32 $0xFFFFFFFF  }
0xb4: {  	_ =	strace $0x90000048  }
0xb5: {  	_ =	sfence  }
0xb6: {  	s30 =	sld [smem:$0x0];
	_ =	sdelay $0x2  }
0xb7: {  	s31 =	sshll.u32 s1, $0xD;
	s1 =	sshrl.u32 s1, $0x2  }
0xb8: {  	s3 =	sand.u32 $0x4000, s31;
	s1 =	sadd.s32 s1, s30  }
0xb9: {  	s0 =	sor.u32 s3, s0;
	s1 =	sshll.u32 s1, $0x11  }
0xba: {  	s0 =	sor.u32 s1, s0  }
0xbb: {  	s0 =	sadd.s32 $0x8F2B, s0  }
0xbc: {  	[sflag:s0] =	ssyncadd.remote.s32 $0x1  }
0xbd: {  	_ =	sfence.sel $0xFFFF  }
0xbe: {  	[dreg:$0x0] =	wrdreg $0xFFFFFFFF;
	(pc) =	sbr.abs _section_cstart, $3  }
0xbf: {  	[dreg:$0x1] =	wrdreg $0xFFFFFFFF  }
0xc0: {  	_ =	task.clear_ibuf [dreg:s6], $0x2FFFF;
	_ =	strace $0x9FFFFFFF  }
0xc1: {  	(tm) =	ssettm $0x7FFFFFFF  }
tec
execute0_lowered:
.L_overlay_start_1:
0x0: {  	(tag) =	ssettag $0x1  }
0x1: {  	s5 =	rddreg [dreg:$0x0]  }
0x2: {  	s0 =	rddreg [dreg:$0x1];
	s2 =	simm.s32 $0x0;
	s1 =	stileid.u32  }
0x3: {  	s7 =	srdreg.scid;
	[smem:$0x7FF] =	sst s2;
	s3 =	sadd.s32 $0x1200, s5  }
0x4: {  	s4 =	sadd.s32 $0x200, s5;
	s6 =	sshll.u32 s1, $0x4;
	s26 =	sand.u32 $0x1, s7  }
0x5: {  	s28 =	sshll.u32 s1, $0x8;
	s8 =	sshll.u32 s1, $0x6;
	_ =	strace $0x80000047  }
0x6: {  	s5 =	sadd.s32 s6, s5;
	s9 =	sshll.u32 s26, $0xC;
	s7 =	sand.u32 $0xE00, s28  }
0x7: {  	s10 =	ssub.s32 $0x2, s26;
	s8 =	sand.u32 $0x40, s8;
	s7 =	sor.u32 s7, s9  }
0x8: {  	s6 =	sshll.u32 s26, $0x8;
	s29 =	sshrl.u32 s10, $0x1;
	s11 =	sor.u32 s8, s7  }
0x9: {  	s5 =	sadd.s32 s6, s5;
	s9 =	simm.s32 $0x4000;
	s31 =	sor.u32 $0x2000, s11;
	v0 =	vmov s11  }
0xa: {  	s30 =	ssub.s32 s10, s29;
	s5 =	sadd.s32 $0x2200, s5;
	s7 =	simm.s32 $0x1;
	[tilespmem:$0x1FFE0] =	vst v0;
	v63 =	vmov s31  }
0xb: {  	s8 =	simm.s32 $0x2000;
	s10 =	simm.s32 $0x0;
	s6 =	smax.u32 s30, $0x1;
	[tilespmem:$0x1FFF0] =	vst v63  }
.LBB2_1:
0xc: {  	v0 =	vimm.f32 $0.0e+00;
	s11 =	simm.s32 $0x0  }
.LBB2_2:
0xd: {  	s13 =	sshll.u32 s11, $0xA  }
0xe: {  	s12 =	simm.s32 $0x0;
	s14 =	sadd.s32 s3, s13  }
0xf: {  	[tilespmem:s12], [sflag:$0x1] =	stream.linear.gather [hbm4b:s14+s12], $0x2000, $0x38;
	[tilespmem:$0x4080] =	vst v63  }
0x10: {  	_ =	swait.ge [sflag:s7], $0x2000  }
0x11: {  	[sflag:s7] =	ssyncset.done $0x0  }
0x12: {  	s13 =	sadd.s32 s4, s13;
	[sflag:s7] =	ssyncadd.s32 $0xFFFFE000  }
0x13: {  	[tilespmem:s8], [sflag:$0x1] =	stream.linear.gather [hbm4b:s13+s12], $0x2000, $0x38;
	[tilespmem:$0x4080] =	vst v63  }
0x14: {  	_ =	swait.ge [sflag:s7], $0x2000  }
0x15: {  	[sflag:s7] =	ssyncset.done $0x0  }
0x16: {  	s14 =	simm.s32 $0x0;
	[sflag:s7] =	ssyncadd.s32 $0xFFFFE000  }
.LBB2_3:
0x17: {  	s15 =	sand.u32 $0x70, s12;
	s16 =	sand.u32 $0x1E00, s12  }
0x18: {  	s31 =	sor.u32 s15, s16  }
0x19: {  	v3 =	vld [tilespmem:s31+$0x2100];
	_ =	sdelay $0x1  }
0x1a: {  	v4 =	vld [tilespmem:s31+$0x2000];
	_ =	sdelay $0x2  }
0x1b: {  	v5 =	vld [tilespmem:s31+$0x2080];
	v11 =	vshrl.u32 v3, $0x10  }
0x1c: {  	v11 =	vand.u32 $0x1, v11  }
0x1d: {  	v2 =	vld [tilespmem:$0x1FFE0];
	v9 =	vmul.f32 v3, v3;
	v12 =	vshrl.u32 v4, $0x10;
	v3 =	vadd.s32 v11, v3  }
0x1e: {  	v12 =	vand.u32 $0x1, v12;
	v3 =	vadd.s32 $0x7FFF, v3  }
0x1f: {  	v10 =	vmul.f32 v4, v4;
	v4 =	vadd.s32 v12, v4;
	v3 =	vand.u32 $0xFFFF0000, v3  }
0x20: {  	v16 =	vmul.f32 v5, v5;
	v4 =	vadd.s32 $0x7FFF, v4;
	v35 =	vbroadcast v3, $0xF  }
0x21: {  	v4 =	vand.u32 $0xFFFF0000, v4;
	v37 =	vbroadcast v3, $0xD;
	v38 =	vbroadcast v3, $0xE  }
0x22: {  	v50 =	vbroadcast v4, $0xF;
	v52 =	vbroadcast v3, $0xC  }
0x23: {  	s13 =	sshll.u32 s14, $0x4;
	v53 =	vbroadcast v4, $0xE;
	v55 =	vbroadcast v3, $0xB  }
0x24: {  	s13 =	sand.u32 $0x3FFFFFF0, s13;
	v41 =	vbroadcast v4, $0xD;
	v56 =	vbroadcast v3, $0xA  }
0x25: {  	[tilespmem:$0x1FEC0] =	vst v0;
	v0 =	vld.idx.msk [tilespmem:v2+s13+$0x0 ss:$0x1], $0xffff;
	v57 =	vbroadcast v4, $0xC;
	v58 =	vbroadcast v3, $0x9  }
0x26: {  	v1 =	vld.idx.msk [tilespmem:v2+s13+$0x80 ss:$0x1], $0xffff;
	v6 =	vbroadcast v4, $0xB;
	v63 =	vbroadcast v4, $0xA  }
0x27: {  	v2 =	vld.idx.msk [tilespmem:v2+s13+$0x100 ss:$0x1], $0xffff;
	v61 =	vbroadcast v4, $0x9;
	v7 =	vbroadcast v3, $0x5  }
0x28: {  	v13 =	vshrl.u32 v5, $0x10;
	v8 =	vbroadcast v3, $0x4;
	v21 =	vbroadcast v4, $0x6  }
0x29: {  	v11 =	vand.u32 $0x1, v13;
	v33 =	vbroadcast v4, $0x4;
	v32 =	vbroadcast v4, $0x3  }
0x2a: {  	v5 =	vadd.s32 v11, v5;
	v34 =	vbroadcast v4, $0x2;
	v30 =	vbroadcast v4, $0x1  }
0x2b: {  	v5 =	vadd.s32 $0x7FFF, v5;
	v27 =	vbroadcast v4, $0x0;
	v23 =	vmul.f32 v0, v0  }
0x2c: {  	v5 =	vand.u32 $0xFFFF0000, v5;
	v25 =	vmul.f32 v1, v1;
	v19 =	vmul.f32 v2, v2  }
0x2d: {  	v51 =	vbroadcast v5, $0xF;
	v40 =	vbroadcast v5, $0xE  }
0x2e: {  	v54 =	vbroadcast v5, $0xD;
	v62 =	vbroadcast v5, $0xC  }
0x2f: {  	v59 =	vbroadcast v5, $0xA;
	v60 =	vbroadcast v5, $0x9  }
0x30: {  	v10 =	vadd.f32 v16, v10;
	v18 =	vbroadcast v5, $0x8;
	v20 =	vbroadcast v5, $0x7  }
0x31: {  	v22 =	vbroadcast v5, $0x6;
	v29 =	vbroadcast v5, $0x4  }
0x32: {  	v9 =	vadd.f32 v9, v10;
	v26 =	vbroadcast v5, $0x3;
	v31 =	vbroadcast v5, $0x2  }
0x33: {  	v28 =	vbroadcast v5, $0x1;
	v24 =	vbroadcast v5, $0x0  }
0x34: {  	v10 =	vbroadcast v9, $0xF;
	v12 =	vbroadcast v9, $0xD  }
0x35: {  	v16 =	vbroadcast v9, $0xE;
	[tilespmem:$0x1FF10] =	vst v8;
	v8 =	vbroadcast v3, $0x3  }
0x36: {  	v14 =	vbroadcast v9, $0xB;
	[tilespmem:$0x1FF60] =	vst v6;
	v6 =	vbroadcast v5, $0xB  }
0x37: {  	v11 =	vbroadcast v9, $0xA;
	[tilespmem:$0x1FF20] =	vst v8;
	v8 =	vbroadcast v4, $0x5  }
0x38: {  	v42 =	vbroadcast v9, $0x7;
	[tilespmem:$0x1FF70] =	vst v6;
	v6 =	vbroadcast v3, $0x8  }
0x39: {  	v13 =	vbroadcast v9, $0x8;
	[tilespmem:$0x1FFB0] =	vst v8;
	v8 =	vbroadcast v5, $0x5  }
0x3a: {  	v43 =	vbroadcast v9, $0x5;
	[tilespmem:$0x1FED0] =	vst v6;
	v6 =	vbroadcast v3, $0x7  }
0x3b: {  	v47 =	vbroadcast v9, $0x6;
	[tilespmem:$0x1FFC0] =	vst v8;
	v8 =	vbroadcast v3, $0x2  }
0x3c: {  	v44 =	vbroadcast v9, $0x3;
	[tilespmem:$0x1FEE0] =	vst v6;
	v6 =	vbroadcast v3, $0x6  }
0x3d: {  	[tilespmem:$0x1FF30] =	vst v8;
	v8 =	vbroadcast v3, $0x1;
	v3 =	vbroadcast v3, $0x0  }
0x3e: {  	v15 =	vshrl.u32 v0, $0x10;
	v48 =	vbroadcast v9, $0x4;
	v45 =	vbroadcast v9, $0x1  }
0x3f: {  	v49 =	vbroadcast v9, $0x2;
	v46 =	vbroadcast v9, $0x0;
	[tilespmem:$0x1FF50] =	vst v3;
	v3 =	vshrl.u32 v1, $0x10  }
0x40: {  	[tilespmem:$0x1FF00] =	vst v7;
	v7 =	vbroadcast v4, $0x7;
	v17 =	vand.u32 $0x1, v15;
	v3 =	vand.u32 $0x1, v3  }
0x41: {  	v0 =	vadd.s32 v17, v0;
	v1 =	vadd.s32 v3, v1;
	v3 =	vshrl.u32 v2, $0x10  }
0x42: {  	v17 =	vbroadcast v9, $0x9;
	v0 =	vadd.s32 $0x7FFF, v0;
	v3 =	vand.u32 $0x1, v3  }
0x43: {  	[tilespmem:$0x1FEF0] =	vst v6;
	v6 =	vbroadcast v4, $0x8;
	v4 =	vand.u32 $0xFFFF0000, v0;
	v2 =	vadd.s32 v3, v2  }
0x44: {  	[tilespmem:$0x1FF40] =	vst v8;
	v8 =	vbroadcast v9, $0xC;
	v9 =	vadd.f32 v25, v23;
	v0 =	vadd.s32 $0x7FFF, v2  }
0x45: {  	v50 =	vmul.f32 v4, v50;
	v2 =	vmul.f32 v4, v6;
	v3 =	vand.u32 $0xFFFF0000, v0  }
0x46: {  	v6 =	vadd.f32 v19, v9;
	v36 =	vmul.f32 v3, v35;
	v35 =	vmul.f32 v3, v37  }
0x47: {  	v0 =	vadd.s32 $0x7FFF, v1;
	v39 =	vmul.f32 v3, v38;
	v38 =	vmul.f32 v3, v52  }
0x48: {  	v5 =	vand.u32 $0xFFFF0000, v0;
	v52 =	vmul.f32 v4, v53;
	v37 =	vmul.f32 v3, v55;
	v0 =	vld [tilespmem:$0x1FF60]  }
0x49: {  	v53 =	vmul.f32 v4, v41;
	v41 =	vmul.f32 v3, v56  }
0x4a: {  	v56 =	vmul.f32 v4, v57;
	v19 =	vadd.f32 v8, v6;
	v8 =	vadd.f32 v12, v6  }
0x4b: {  	v51 =	vmul.f32 v5, v51;
	v9 =	vmul.f32 v5, v18;
	v18 =	vadd.f32 v11, v6;
	v11 =	vld [tilespmem:$0x1FFC0]  }
0x4c: {  	v55 =	vmul.f32 v5, v40;
	v54 =	vmul.f32 v5, v54;
	[tilespmem:$0x1FFA0] =	vst v8;
	v8 =	vld [tilespmem:$0x1FFB0]  }
0x4d: {  	v40 =	vmul.f32 v3, v58;
	v57 =	vmul.f32 v4, v0;
	v0 =	vld [tilespmem:$0x1FF70]  }
0x4e: {  	v15 =	vadd.f32 v16, v6;
	v62 =	vmul.f32 v5, v62;
	v1 =	vmul.f32 v5, v59  }
0x4f: {  	v10 =	vadd.f32 v10, v6;
	v59 =	vmul.f32 v4, v61;
	v61 =	vmul.f32 v5, v60  }
0x50: {  	v16 =	vadd.f32 v17, v6;
	v60 =	vmul.f32 v4, v7;
	v7 =	vmul.f32 v4, v21  }
0x51: {  	v12 =	vimm.f32 $+Inf;
	[tilespmem:$0x1FF90] =	vst v10;
	v10 =	vmul.f32 v5, v22;
	v11 =	vmul.f32 v5, v11  }
0x52: {  	v21 =	vadd.f32 v14, v6;
	[tilespmem:$0x1FFD0] =	vst v12;
	v8 =	vmul.f32 v4, v8;
	v58 =	vmul.f32 v5, v0  }
0x53: {  	s15 =	simm.s32 $0x0;
	s13 =	simm.s32 $0x10;
	[tilespmem:$0x1FF80] =	vst v15;
	v0 =	vmul.f32 v4, v63;
	v63 =	vmul.f32 v5, v20;
	v20 =	vadd.f32 v13, v6  }
.LBB2_4:
0x54: {  	v33 =	vmul.f32 v4, v33  }
0x55: {  	v29 =	vmul.f32 v5, v29;
	v47 =	vadd.f32 v47, v6;
	v42 =	vadd.f32 v42, v6  }
0x56: {  	v32 =	vmul.f32 v4, v32;
	v48 =	vadd.f32 v48, v6;
	v43 =	vadd.f32 v43, v6  }
0x57: {  	v26 =	vmul.f32 v5, v26;
	v49 =	vadd.f32 v49, v6;
	v44 =	vadd.f32 v44, v6  }
0x58: {  	v34 =	vmul.f32 v4, v34;
	v12 =	vld [tilespmem:$0x1FED0];
	v46 =	vadd.f32 v46, v6;
	v45 =	vadd.f32 v45, v6  }
0x59: {  	v31 =	vmul.f32 v5, v31;
	v15 =	vld [tilespmem:$0x1FF50];
	v52 =	vadd.f32 v55, v52;
	v62 =	vadd.f32 v62, v56  }
0x5a: {  	v30 =	vmul.f32 v4, v30;
	v13 =	vld [tilespmem:$0x1FEE0];
	v0 =	vadd.f32 v1, v0;
	v1 =	vadd.f32 v58, v57  }
0x5b: {  	v27 =	vmul.f32 v4, v27;
	v22 =	vld [tilespmem:$0x1FF30];
	v2 =	vadd.f32 v9, v2;
	v9 =	vadd.f32 v61, v59  }
0x5c: {  	v25 =	vmul.f32 v5, v24;
	v7 =	vadd.f32 v10, v7;
	v10 =	vadd.f32 v63, v60;
	v55 =	vld [tilespmem:$0x1FEF0]  }
0x5d: {  	v28 =	vmul.f32 v5, v28;
	v8 =	vadd.f32 v11, v8;
	v56 =	vld [tilespmem:$0x1FF00];
	v29 =	vadd.f32 v29, v33  }
0x5e: {  	v11 =	vadd.f32 v31, v34;
	v25 =	vadd.f32 v25, v27;
	v17 =	vmul.f32 v3, v15;
	v15 =	vld [tilespmem:$0x1FF40]  }
0x5f: {  	v60 =	vld [tilespmem:$0x1FF10];
	v26 =	vadd.f32 v26, v32;
	v27 =	vadd.f32 v28, v30  }
0x60: {  	v0 =	vadd.f32 v41, v0;
	v17 =	vadd.f32 v17, v25;
	v25 =	vmul.f32 v3, v22;
	v22 =	vld [tilespmem:$0x1FF20]  }
0x61: {  	v1 =	vadd.f32 v37, v1;
	v12 =	vmul.f32 v3, v12;
	v28 =	vmul.f32 v3, v13  }
0x62: {  	v9 =	vadd.f32 v40, v9;
	v14 =	vmul.f32 v3, v55;
	v57 =	vmul.f32 v3, v56  }
0x63: {  	v2 =	vadd.f32 v12, v2;
	v10 =	vadd.f32 v28, v10;
	v15 =	vmul.f32 v3, v15  }
0x64: {  	v13 =	vmul.f32 v3, v60;
	v7 =	vadd.f32 v14, v7;
	v8 =	vadd.f32 v57, v8  }
0x65: {  	v28 =	vadd.f32 v17, v17;
	v17 =	vld [tilespmem:$0x1FFD0];
	v15 =	vadd.f32 v15, v27;
	v27 =	vmul.f32 v3, v22  }
0x66: {  	v13 =	vadd.f32 v13, v29;
	v11 =	vadd.f32 v25, v11  }
0x67: {  	v15 =	vadd.f32 v15, v15;
	v27 =	vadd.f32 v27, v26  }
0x68: {  	v28 =	vsub.f32 v46, v28;
	v11 =	vadd.f32 v11, v11  }
0x69: {  	v15 =	vsub.f32 v45, v15;
	v27 =	vadd.f32 v27, v27  }
0x6a: {  	v13 =	vadd.f32 v13, v13;
	v11 =	vsub.f32 v49, v11;
	v28 =	vmin.f32 v17, v28  }
0x6b: {  	v8 =	vadd.f32 v8, v8;
	v15 =	vmin.f32 v28, v15;
	v27 =	vsub.f32 v44, v27  }
0x6c: {  	v7 =	vadd.f32 v7, v7;
	v13 =	vsub.f32 v48, v13;
	v11 =	vmin.f32 v15, v11  }
0x6d: {  	v10 =	vadd.f32 v10, v10;
	v8 =	vsub.f32 v43, v8;
	v11 =	vmin.f32 v11, v27  }
0x6e: {  	v2 =	vadd.f32 v2, v2;
	v7 =	vsub.f32 v47, v7;
	v11 =	vmin.f32 v11, v13  }
0x6f: {  	v9 =	vadd.f32 v9, v9;
	v10 =	vsub.f32 v42, v10;
	v8 =	vmin.f32 v11, v8  }
0x70: {  	v0 =	vadd.f32 v0, v0;
	v2 =	vsub.f32 v20, v2;
	v7 =	vmin.f32 v8, v7  }
0x71: {  	v1 =	vadd.f32 v1, v1;
	v8 =	vsub.f32 v16, v9;
	v7 =	vmin.f32 v7, v10  }
0x72: {  	v0 =	vsub.f32 v18, v0;
	v2 =	vmin.f32 v7, v2  }
0x73: {  	v1 =	vsub.f32 v21, v1;
	v2 =	vmin.f32 v2, v8  }
0x74: {  	v53 =	vadd.f32 v54, v53;
	v0 =	vmin.f32 v2, v0  }
0x75: {  	v58 =	vadd.f32 v38, v62;
	v0 =	vmin.f32 v0, v1;
	v1 =	vld [tilespmem:$0x1FFA0]  }
0x76: {  	s15 =	sadd.s32 $0x40, s15;
	v59 =	vadd.f32 v35, v53  }
0x77: {  	s16 =	sand.u32 $0x70, s13;
	s17 =	sand.u32 $0x1E00, s15;
	v7 =	vadd.f32 v58, v58  }
0x78: {  	s16 =	sor.u32 s16, s17;
	v8 =	vadd.f32 v59, v59  }
0x79: {  	v61 =	vld [tilespmem:s16+$0x2100];
	v2 =	vsub.f32 v19, v7  }
0x7a: {  	v62 =	vld [tilespmem:s16+$0x2000];
	v1 =	vsub.f32 v1, v8  }
0x7b: {  	v50 =	vadd.f32 v51, v50;
	v0 =	vmin.f32 v0, v2;
	v2 =	vld [tilespmem:$0x1FF80]  }
0x7c: {  	v30 =	vadd.f32 v39, v52;
	v0 =	vmin.f32 v0, v1;
	v1 =	vld [tilespmem:$0x1FF90]  }
0x7d: {  	v31 =	vadd.f32 v36, v50  }
0x7e: {  	v7 =	vadd.f32 v30, v30  }
0x7f: {  	v63 =	vld [tilespmem:s16+$0x2080];
	v8 =	vadd.f32 v31, v31  }
0x80: {  	v2 =	vsub.f32 v2, v7  }
0x81: {  	v32 =	vmul.f32 v62, v62;
	v9 =	vshrl.u32 v61, $0x10;
	v1 =	vsub.f32 v1, v8  }
0x82: {  	v9 =	vand.u32 $0x1, v9;
	v7 =	vshrl.u32 v62, $0x10;
	v0 =	vmin.f32 v0, v2  }
0x83: {  	v2 =	vand.u32 $0x1, v7;
	v7 =	vadd.s32 v9, v61;
	v0 =	vmin.f32 v0, v1  }
0x84: {  	v8 =	vshrl.u32 v63, $0x10;
	[tilespmem:$0x1FFD0] =	vst v0;
	v0 =	vadd.s32 v2, v62;
	v2 =	vadd.s32 $0x7FFF, v7  }
0x85: {  	v25 =	vmul.f32 v61, v61;
	v1 =	vand.u32 $0x1, v8;
	v2 =	vand.u32 $0xFFFF0000, v2  }
0x86: {  	v26 =	vmul.f32 v63, v63;
	v1 =	vadd.s32 v1, v63;
	v35 =	vbroadcast v2, $0xF  }
0x87: {  	v0 =	vadd.s32 $0x7FFF, v0;
	v37 =	vbroadcast v2, $0xD;
	v9 =	vbroadcast v2, $0xE  }
0x88: {  	v1 =	vadd.s32 $0x7FFF, v1;
	v41 =	vbroadcast v2, $0xC;
	v53 =	vbroadcast v2, $0xB  }
0x89: {  	v0 =	vand.u32 $0xFFFF0000, v0;
	v7 =	vbroadcast v2, $0xA;
	v40 =	vbroadcast v2, $0x9  }
0x8a: {  	v1 =	vand.u32 $0xFFFF0000, v1;
	v8 =	vbroadcast v2, $0x3;
	v10 =	vbroadcast v2, $0x2  }
0x8b: {  	v50 =	vbroadcast v0, $0xF;
	v38 =	vbroadcast v1, $0xF  }
0x8c: {  	v52 =	vbroadcast v0, $0xE;
	v54 =	vbroadcast v1, $0xE  }
0x8d: {  	v56 =	vbroadcast v0, $0xD;
	v62 =	vbroadcast v1, $0xD  }
0x8e: {  	v57 =	vbroadcast v1, $0xC;
	v58 =	vbroadcast v0, $0xB  }
0x8f: {  	v59 =	vbroadcast v1, $0xB;
	v60 =	vbroadcast v0, $0xA  }
0x90: {  	v61 =	vbroadcast v1, $0xA;
	v63 =	vbroadcast v0, $0x9  }
0x91: {  	v12 =	vbroadcast v1, $0x9;
	v13 =	vbroadcast v0, $0x8  }
0x92: {  	v14 =	vbroadcast v1, $0x8;
	v15 =	vbroadcast v0, $0x7  }
0x93: {  	v17 =	vbroadcast v1, $0x7;
	v11 =	vbroadcast v0, $0x5  }
0x94: {  	v16 =	vbroadcast v1, $0x5;
	v33 =	vbroadcast v0, $0x4  }
0x95: {  	v27 =	vadd.f32 v26, v32;
	v29 =	vbroadcast v1, $0x4;
	v32 =	vbroadcast v0, $0x3  }
0x96: {  	v26 =	vbroadcast v1, $0x3;
	v34 =	vbroadcast v0, $0x2  }
0x97: {  	v30 =	vbroadcast v0, $0x1;
	v31 =	vbroadcast v1, $0x2  }
0x98: {  	v28 =	vbroadcast v1, $0x1;
	v24 =	vbroadcast v1, $0x0;
	[tilespmem:$0x1FEA0] =	vst v7  }
0x99: {  	v7 =	vbroadcast v0, $0xC;
	[tilespmem:$0x1FF20] =	vst v8;
	v8 =	vbroadcast v1, $0x6  }
0x9a: {  	[tilespmem:$0x1FF30] =	vst v10;
	v10 =	vbroadcast v2, $0x1;
	v36 =	vmul.f32 v3, v35  }
0x9b: {  	v35 =	vmul.f32 v3, v37;
	v39 =	vmul.f32 v3, v9  }
0x9c: {  	v37 =	vmul.f32 v3, v53;
	[tilespmem:$0x1FEB0] =	vst v7;
	v7 =	vbroadcast v2, $0x8  }
0x9d: {  	v40 =	vmul.f32 v3, v40;
	v50 =	vmul.f32 v4, v50  }
0x9e: {  	v51 =	vmul.f32 v5, v38;
	[tilespmem:$0x1FED0] =	vst v7;
	v7 =	vbroadcast v2, $0x7  }
0x9f: {  	v38 =	vmul.f32 v3, v41;
	v52 =	vmul.f32 v4, v52  }
0xa0: {  	v55 =	vmul.f32 v5, v54;
	[tilespmem:$0x1FEE0] =	vst v7;
	v7 =	vbroadcast v2, $0x6  }
0xa1: {  	v53 =	vmul.f32 v4, v56;
	v54 =	vmul.f32 v5, v62  }
0xa2: {  	v62 =	vmul.f32 v5, v57;
	[tilespmem:$0x1FEF0] =	vst v7;
	v7 =	vbroadcast v2, $0x5  }
0xa3: {  	v57 =	vmul.f32 v4, v58;
	v58 =	vmul.f32 v5, v59  }
0xa4: {  	[tilespmem:$0x1FF00] =	vst v7;
	v7 =	vbroadcast v2, $0x4;
	v2 =	vbroadcast v2, $0x0  }
0xa5: {  	v1 =	vmul.f32 v5, v61;
	v59 =	vmul.f32 v4, v63  }
0xa6: {  	v61 =	vmul.f32 v5, v12;
	v9 =	vmul.f32 v5, v14;
	[tilespmem:$0x1FF50] =	vst v2;
	v2 =	vadd.f32 v25, v27  }
0xa7: {  	v63 =	vmul.f32 v5, v17;
	[tilespmem:$0x1FF10] =	vst v7;
	v7 =	vbroadcast v0, $0x6  }
0xa8: {  	[tilespmem:$0x1FF40] =	vst v10;
	v27 =	vbroadcast v0, $0x0;
	v10 =	vbroadcast v2, $0xF  }
0xa9: {  	v18 =	vbroadcast v2, $0xD;
	v19 =	vbroadcast v2, $0xE  }
0xaa: {  	v0 =	vld [tilespmem:$0x1FEA0];
	v20 =	vbroadcast v2, $0xB;
	v21 =	vbroadcast v2, $0xC  }
0xab: {  	v22 =	vbroadcast v2, $0x9;
	v25 =	vbroadcast v2, $0xA  }
0xac: {  	v42 =	vbroadcast v2, $0x7;
	v23 =	vbroadcast v2, $0x8  }
0xad: {  	v43 =	vbroadcast v2, $0x5;
	v47 =	vbroadcast v2, $0x6  }
0xae: {  	v44 =	vbroadcast v2, $0x3;
	v48 =	vbroadcast v2, $0x4  }
0xaf: {  	v45 =	vbroadcast v2, $0x1;
	v10 =	vadd.f32 v10, v6;
	v41 =	vmul.f32 v3, v0;
	v0 =	vld [tilespmem:$0x1FEB0]  }
0xb0: {  	p0 =	sne.s32 s13, $0x7F0;
	v49 =	vbroadcast v2, $0x2;
	v46 =	vbroadcast v2, $0x0  }
.Ltmp0:
0xb1: {  	v2 =	vmul.f32 v4, v13;
	[tilespmem:$0x1FF90] =	vst v10;
	v10 =	vmul.f32 v5, v8;
	v8 =	vadd.f32 v18, v6;
	(pc) =	sbr.rel @p0 .LBB2_4-.Ltmp0, $4  }
0xb2: {  	v7 =	vmul.f32 v4, v7;
	v12 =	vadd.f32 v19, v6;
	v19 =	vadd.f32 v21, v6  }
0xb3: {  	v21 =	vadd.f32 v20, v6;
	v20 =	vadd.f32 v23, v6;
	[tilespmem:$0x1FFA0] =	vst v8;
	v8 =	vmul.f32 v4, v11  }
0xb4: {  	v18 =	vadd.f32 v25, v6;
	v11 =	vmul.f32 v5, v16;
	v56 =	vmul.f32 v4, v0  }
0xb5: {  	s13 =	sadd.s32 $0x10, s13;
	[tilespmem:$0x1FF80] =	vst v12;
	v16 =	vadd.f32 v22, v6;
	v0 =	vmul.f32 v4, v60;
	v60 =	vmul.f32 v4, v15  }
0xb6: {  	v12 =	vadd.f32 v47, v6  }
0xb7: {  	v13 =	vadd.f32 v42, v6;
	v14 =	vadd.f32 v48, v6  }
0xb8: {  	v15 =	vadd.f32 v43, v6;
	v17 =	vadd.f32 v49, v6  }
0xb9: {  	v22 =	vadd.f32 v44, v6;
	v23 =	vadd.f32 v46, v6  }
0xba: {  	v6 =	vadd.f32 v45, v6;
	v25 =	vadd.f32 v55, v52  }
0xbb: {  	v50 =	vadd.f32 v51, v50;
	v51 =	vadd.f32 v62, v56  }
0xbc: {  	v52 =	vadd.f32 v54, v53;
	v2 =	vadd.f32 v9, v2  }
0xbd: {  	v53 =	vmul.f32 v4, v32;
	v54 =	vmul.f32 v4, v34;
	v55 =	vadd.f32 v61, v59  }
0xbe: {  	v30 =	vmul.f32 v4, v30;
	v7 =	vadd.f32 v10, v7;
	v26 =	vmul.f32 v5, v26;
	v43 =	vld [tilespmem:$0x1FEE0]  }
0xbf: {  	v59 =	vmul.f32 v5, v31;
	v8 =	vadd.f32 v11, v8;
	v44 =	vld [tilespmem:$0x1FF00];
	v0 =	vadd.f32 v1, v0  }
0xc0: {  	v28 =	vmul.f32 v5, v28;
	v45 =	vld [tilespmem:$0x1FF50];
	v1 =	vadd.f32 v58, v57;
	v58 =	vadd.f32 v63, v60  }
0xc1: {  	v33 =	vmul.f32 v4, v33;
	v61 =	vadd.f32 v59, v54;
	v0 =	vadd.f32 v41, v0;
	v41 =	vld [tilespmem:$0x1FEF0]  }
0xc2: {  	v47 =	vld [tilespmem:$0x1FF40];
	v57 =	vmul.f32 v5, v29;
	v9 =	vadd.f32 v26, v53;
	v62 =	vadd.f32 v28, v30  }
0xc3: {  	v60 =	vmul.f32 v5, v24;
	v24 =	vadd.f32 v39, v25;
	v63 =	vadd.f32 v36, v50;
	v39 =	vld [tilespmem:$0x1FED0]  }
0xc4: {  	v56 =	vmul.f32 v4, v27;
	v46 =	vld [tilespmem:$0x1FF10];
	v36 =	vadd.f32 v38, v51;
	v38 =	vadd.f32 v35, v52  }
0xc5: {  	v48 =	vld [tilespmem:$0x1FF30];
	v42 =	vadd.f32 v40, v55;
	v10 =	vadd.f32 v57, v33  }
0xc6: {  	v49 =	vld [tilespmem:$0x1FF20];
	v4 =	vadd.f32 v60, v56;
	v31 =	vmul.f32 v3, v43;
	v30 =	vmul.f32 v3, v41  }
0xc7: {  	v1 =	vadd.f32 v37, v1;
	v32 =	vmul.f32 v3, v45;
	v33 =	vmul.f32 v3, v47  }
0xc8: {  	v29 =	vmul.f32 v3, v39;
	v7 =	vadd.f32 v30, v7;
	v30 =	vmul.f32 v3, v44  }
0xc9: {  	v27 =	vadd.f32 v31, v58;
	v31 =	vmul.f32 v3, v46;
	v4 =	vadd.f32 v32, v4  }
0xca: {  	v5 =	vadd.f32 v33, v62;
	v8 =	vadd.f32 v30, v8;
	v30 =	vmul.f32 v3, v48  }
0xcb: {  	v51 =	vld [tilespmem:$0x1FFD0];
	v2 =	vadd.f32 v29, v2;
	v10 =	vadd.f32 v31, v10;
	v3 =	vmul.f32 v3, v49  }
0xcc: {  	v4 =	vadd.f32 v4, v4;
	v11 =	vadd.f32 v30, v61  }
0xcd: {  	v5 =	vadd.f32 v5, v5;
	v3 =	vadd.f32 v3, v9  }
0xce: {  	v4 =	vsub.f32 v23, v4;
	v50 =	vadd.f32 v11, v11  }
0xcf: {  	v5 =	vsub.f32 v6, v5;
	v3 =	vadd.f32 v3, v3  }
0xd0: {  	v53 =	vadd.f32 v10, v10;
	v4 =	vmin.f32 v51, v4;
	v52 =	vsub.f32 v17, v50  }
0xd1: {  	v4 =	vmin.f32 v4, v5;
	v54 =	vadd.f32 v8, v8;
	v3 =	vsub.f32 v22, v3  }
0xd2: {  	v7 =	vadd.f32 v7, v7;
	v55 =	vsub.f32 v14, v53;
	v4 =	vmin.f32 v4, v52  }
0xd3: {  	v57 =	vadd.f32 v27, v27;
	v56 =	vsub.f32 v15, v54;
	v3 =	vmin.f32 v4, v3  }
0xd4: {  	v2 =	vadd.f32 v2, v2;
	v58 =	vsub.f32 v12, v7;
	v3 =	vmin.f32 v3, v55  }
0xd5: {  	v60 =	vadd.f32 v42, v42;
	v59 =	vsub.f32 v13, v57;
	v3 =	vmin.f32 v3, v56  }
0xd6: {  	v0 =	vadd.f32 v0, v0;
	v2 =	vsub.f32 v20, v2;
	v3 =	vmin.f32 v3, v58  }
0xd7: {  	v1 =	vadd.f32 v1, v1;
	v61 =	vsub.f32 v16, v60;
	v3 =	vmin.f32 v3, v59  }
0xd8: {  	v0 =	vsub.f32 v18, v0;
	v2 =	vmin.f32 v3, v2  }
0xd9: {  	v1 =	vsub.f32 v21, v1;
	v2 =	vmin.f32 v2, v61  }
0xda: {  	v0 =	vmin.f32 v2, v0  }
0xdb: {  	v0 =	vmin.f32 v0, v1;
	v1 =	vld [tilespmem:$0x1FFA0];
	_ =	sdelay $0x1  }
0xdc: {  	v3 =	vadd.f32 v36, v36  }
0xdd: {  	v62 =	vadd.f32 v38, v38  }
0xde: {  	v2 =	vsub.f32 v19, v3  }
0xdf: {  	v1 =	vsub.f32 v1, v62  }
0xe0: {  	v0 =	vmin.f32 v0, v2;
	v2 =	vld [tilespmem:$0x1FF80]  }
0xe1: {  	v0 =	vmin.f32 v0, v1;
	v1 =	vld [tilespmem:$0x1FF90];
	_ =	sdelay $0x1  }
0xe2: {  	v3 =	vadd.f32 v24, v24  }
0xe3: {  	v63 =	vadd.f32 v63, v63  }
0xe4: {  	v2 =	vsub.f32 v2, v3  }
0xe5: {  	v1 =	vsub.f32 v1, v63  }
0xe6: {  	s14 =	sadd.s32 $0x1, s14;
	v0 =	vmin.f32 v0, v2  }
0xe7: {  	p0 =	sne.s32 s14, $0x4;
	v0 =	vmin.f32 v0, v1;
	v1 =	vld [tilespmem:$0x1FEC0]  }
.Ltmp1:
0xe8: {  	_ = 	snop;
	(pc) =	sbr.rel @p0 .LBB2_3-.Ltmp1, $3  }
0xe9: {  	_ =	sdelay $0x1  }
0xea: {  	v0 =	vmax.f32 v0, $0.0e+00  }
0xeb: {  	s13 =	simm.s32 $0x0;
	v0 =	vadd.f32 v0, v1  }
0xec: {  	s12 =	simm.s32 $0x0  }
.LBB2_7:
0xed: {  	s15 =	sand.u32 $0x70, s13;
	s16 =	sand.u32 $0x1E00, s13  }
0xee: {  	s31 =	sor.u32 s15, s16  }
0xef: {  	v3 =	vld [tilespmem:s31+$0x100];
	_ =	sdelay $0x1  }
0xf0: {  	v4 =	vld [tilespmem:s31+$0x0];
	_ =	sdelay $0x2  }
0xf1: {  	v5 =	vld [tilespmem:s31+$0x80];
	v11 =	vshrl.u32 v3, $0x10  }
0xf2: {  	v11 =	vand.u32 $0x1, v11  }
0xf3: {  	v2 =	vld [tilespmem:$0x1FFF0];
	v9 =	vmul.f32 v3, v3;
	v12 =	vshrl.u32 v4, $0x10;
	v3 =	vadd.s32 v11, v3  }
0xf4: {  	v12 =	vand.u32 $0x1, v12;
	v3 =	vadd.s32 $0x7FFF, v3  }
0xf5: {  	v10 =	vmul.f32 v4, v4;
	v4 =	vadd.s32 v12, v4;
	v3 =	vand.u32 $0xFFFF0000, v3  }
0xf6: {  	v16 =	vmul.f32 v5, v5;
	v4 =	vadd.s32 $0x7FFF, v4;
	v35 =	vbroadcast v3, $0xF  }
0xf7: {  	v4 =	vand.u32 $0xFFFF0000, v4;
	v37 =	vbroadcast v3, $0xD;
	v38 =	vbroadcast v3, $0xE  }
0xf8: {  	v50 =	vbroadcast v4, $0xF;
	v52 =	vbroadcast v3, $0xC  }
0xf9: {  	s14 =	sshll.u32 s12, $0x4;
	v53 =	vbroadcast v4, $0xE;
	v55 =	vbroadcast v3, $0xB  }
0xfa: {  	s14 =	sand.u32 $0x3FFFFFF0, s14;
	v41 =	vbroadcast v4, $0xD;
	v56 =	vbroadcast v3, $0xA  }
0xfb: {  	[tilespmem:$0x1FEC0] =	vst v0;
	v0 =	vld.idx.msk [tilespmem:v2+s14+$0x0 ss:$0x1], $0xffff;
	v57 =	vbroadcast v4, $0xC;
	v58 =	vbroadcast v3, $0x9  }
0xfc: {  	v1 =	vld.idx.msk [tilespmem:v2+s14+$0x80 ss:$0x1], $0xffff;
	v6 =	vbroadcast v4, $0xB;
	v63 =	vbroadcast v4, $0xA  }
0xfd: {  	v2 =	vld.idx.msk [tilespmem:v2+s14+$0x100 ss:$0x1], $0xffff;
	v61 =	vbroadcast v4, $0x9;
	v7 =	vbroadcast v3, $0x5  }
0xfe: {  	v13 =	vshrl.u32 v5, $0x10;
	v8 =	vbroadcast v3, $0x4;
	v21 =	vbroadcast v4, $0x6  }
0xff: {  	v11 =	vand.u32 $0x1, v13;
	v33 =	vbroadcast v4, $0x4;
	v32 =	vbroadcast v4, $0x3  }
0x100: {  	v5 =	vadd.s32 v11, v5;
	v34 =	vbroadcast v4, $0x2;
	v30 =	vbroadcast v4, $0x1  }
0x101: {  	v5 =	vadd.s32 $0x7FFF, v5;
	v27 =	vbroadcast v4, $0x0;
	v23 =	vmul.f32 v0, v0  }
0x102: {  	v5 =	vand.u32 $0xFFFF0000, v5;
	v25 =	vmul.f32 v1, v1;
	v19 =	vmul.f32 v2, v2  }
0x103: {  	v51 =	vbroadcast v5, $0xF;
	v40 =	vbroadcast v5, $0xE  }
0x104: {  	v54 =	vbroadcast v5, $0xD;
	v62 =	vbroadcast v5, $0xC  }
0x105: {  	v59 =	vbroadcast v5, $0xA;
	v60 =	vbroadcast v5, $0x9  }
0x106: {  	v10 =	vadd.f32 v16, v10;
	v18 =	vbroadcast v5, $0x8;
	v20 =	vbroadcast v5, $0x7  }
0x107: {  	v22 =	vbroadcast v5, $0x6;
	v29 =	vbroadcast v5, $0x4  }
0x108: {  	v9 =	vadd.f32 v9, v10;
	v26 =	vbroadcast v5, $0x3;
	v31 =	vbroadcast v5, $0x2  }
0x109: {  	v28 =	vbroadcast v5, $0x1;
	v24 =	vbroadcast v5, $0x0  }
0x10a: {  	v10 =	vbroadcast v9, $0xF;
	v12 =	vbroadcast v9, $0xD  }
0x10b: {  	v16 =	vbroadcast v9, $0xE;
	[tilespmem:$0x1FDD0] =	vst v8;
	v8 =	vbroadcast v3, $0x3  }
0x10c: {  	v14 =	vbroadcast v9, $0xB;
	[tilespmem:$0x1FE20] =	vst v6;
	v6 =	vbroadcast v5, $0xB  }
0x10d: {  	v11 =	vbroadcast v9, $0xA;
	[tilespmem:$0x1FDE0] =	vst v8;
	v8 =	vbroadcast v4, $0x5  }
0x10e: {  	v42 =	vbroadcast v9, $0x7;
	[tilespmem:$0x1FE30] =	vst v6;
	v6 =	vbroadcast v3, $0x8  }
0x10f: {  	v13 =	vbroadcast v9, $0x8;
	[tilespmem:$0x1FE70] =	vst v8;
	v8 =	vbroadcast v5, $0x5  }
0x110: {  	v43 =	vbroadcast v9, $0x5;
	[tilespmem:$0x1FD90] =	vst v6;
	v6 =	vbroadcast v3, $0x7  }
0x111: {  	v47 =	vbroadcast v9, $0x6;
	[tilespmem:$0x1FE80] =	vst v8;
	v8 =	vbroadcast v3, $0x2  }
0x112: {  	v44 =	vbroadcast v9, $0x3;
	[tilespmem:$0x1FDA0] =	vst v6;
	v6 =	vbroadcast v3, $0x6  }
0x113: {  	[tilespmem:$0x1FDF0] =	vst v8;
	v8 =	vbroadcast v3, $0x1;
	v3 =	vbroadcast v3, $0x0  }
0x114: {  	v15 =	vshrl.u32 v0, $0x10;
	v48 =	vbroadcast v9, $0x4;
	v45 =	vbroadcast v9, $0x1  }
0x115: {  	v49 =	vbroadcast v9, $0x2;
	v46 =	vbroadcast v9, $0x0;
	[tilespmem:$0x1FE10] =	vst v3;
	v3 =	vshrl.u32 v1, $0x10  }
0x116: {  	[tilespmem:$0x1FDC0] =	vst v7;
	v7 =	vbroadcast v4, $0x7;
	v17 =	vand.u32 $0x1, v15;
	v3 =	vand.u32 $0x1, v3  }
0x117: {  	v0 =	vadd.s32 v17, v0;
	v1 =	vadd.s32 v3, v1;
	v3 =	vshrl.u32 v2, $0x10  }
0x118: {  	v17 =	vbroadcast v9, $0x9;
	v0 =	vadd.s32 $0x7FFF, v0;
	v3 =	vand.u32 $0x1, v3  }
0x119: {  	[tilespmem:$0x1FDB0] =	vst v6;
	v6 =	vbroadcast v4, $0x8;
	v4 =	vand.u32 $0xFFFF0000, v0;
	v2 =	vadd.s32 v3, v2  }
0x11a: {  	[tilespmem:$0x1FE00] =	vst v8;
	v8 =	vbroadcast v9, $0xC;
	v9 =	vadd.f32 v25, v23;
	v0 =	vadd.s32 $0x7FFF, v2  }
0x11b: {  	v50 =	vmul.f32 v4, v50;
	v2 =	vmul.f32 v4, v6;
	v3 =	vand.u32 $0xFFFF0000, v0  }
0x11c: {  	v6 =	vadd.f32 v19, v9;
	v36 =	vmul.f32 v3, v35;
	v35 =	vmul.f32 v3, v37  }
0x11d: {  	v0 =	vadd.s32 $0x7FFF, v1;
	v39 =	vmul.f32 v3, v38;
	v38 =	vmul.f32 v3, v52  }
0x11e: {  	v5 =	vand.u32 $0xFFFF0000, v0;
	v52 =	vmul.f32 v4, v53;
	v37 =	vmul.f32 v3, v55;
	v0 =	vld [tilespmem:$0x1FE20]  }
0x11f: {  	v53 =	vmul.f32 v4, v41;
	v41 =	vmul.f32 v3, v56  }
0x120: {  	v56 =	vmul.f32 v4, v57;
	v19 =	vadd.f32 v8, v6;
	v8 =	vadd.f32 v12, v6  }
0x121: {  	v51 =	vmul.f32 v5, v51;
	v9 =	vmul.f32 v5, v18;
	v18 =	vadd.f32 v11, v6;
	v11 =	vld [tilespmem:$0x1FE80]  }
0x122: {  	v55 =	vmul.f32 v5, v40;
	v54 =	vmul.f32 v5, v54;
	[tilespmem:$0x1FE60] =	vst v8;
	v8 =	vld [tilespmem:$0x1FE70]  }
0x123: {  	v40 =	vmul.f32 v3, v58;
	v57 =	vmul.f32 v4, v0;
	v0 =	vld [tilespmem:$0x1FE30]  }
0x124: {  	v15 =	vadd.f32 v16, v6;
	v62 =	vmul.f32 v5, v62;
	v1 =	vmul.f32 v5, v59  }
0x125: {  	v10 =	vadd.f32 v10, v6;
	v59 =	vmul.f32 v4, v61;
	v61 =	vmul.f32 v5, v60  }
0x126: {  	v16 =	vadd.f32 v17, v6;
	v60 =	vmul.f32 v4, v7;
	v7 =	vmul.f32 v4, v21  }
0x127: {  	v12 =	vimm.f32 $+Inf;
	[tilespmem:$0x1FE50] =	vst v10;
	v10 =	vmul.f32 v5, v22;
	v11 =	vmul.f32 v5, v11  }
0x128: {  	v21 =	vadd.f32 v14, v6;
	[tilespmem:$0x1FE90] =	vst v12;
	v8 =	vmul.f32 v4, v8;
	v58 =	vmul.f32 v5, v0  }
0x129: {  	s15 =	simm.s32 $0x0;
	s14 =	simm.s32 $0x10;
	[tilespmem:$0x1FE40] =	vst v15;
	v0 =	vmul.f32 v4, v63;
	v63 =	vmul.f32 v5, v20;
	v20 =	vadd.f32 v13, v6  }
.LBB2_8:
0x12a: {  	v33 =	vmul.f32 v4, v33  }
0x12b: {  	v29 =	vmul.f32 v5, v29;
	v47 =	vadd.f32 v47, v6;
	v42 =	vadd.f32 v42, v6  }
0x12c: {  	v32 =	vmul.f32 v4, v32;
	v48 =	vadd.f32 v48, v6;
	v43 =	vadd.f32 v43, v6  }
0x12d: {  	v26 =	vmul.f32 v5, v26;
	v49 =	vadd.f32 v49, v6;
	v44 =	vadd.f32 v44, v6  }
0x12e: {  	v34 =	vmul.f32 v4, v34;
	v12 =	vld [tilespmem:$0x1FD90];
	v46 =	vadd.f32 v46, v6;
	v45 =	vadd.f32 v45, v6  }
0x12f: {  	v31 =	vmul.f32 v5, v31;
	v15 =	vld [tilespmem:$0x1FE10];
	v52 =	vadd.f32 v55, v52;
	v62 =	vadd.f32 v62, v56  }
0x130: {  	v30 =	vmul.f32 v4, v30;
	v13 =	vld [tilespmem:$0x1FDA0];
	v0 =	vadd.f32 v1, v0;
	v1 =	vadd.f32 v58, v57  }
0x131: {  	v27 =	vmul.f32 v4, v27;
	v22 =	vld [tilespmem:$0x1FDF0];
	v2 =	vadd.f32 v9, v2;
	v9 =	vadd.f32 v61, v59  }
0x132: {  	v25 =	vmul.f32 v5, v24;
	v7 =	vadd.f32 v10, v7;
	v10 =	vadd.f32 v63, v60;
	v55 =	vld [tilespmem:$0x1FDB0]  }
0x133: {  	v28 =	vmul.f32 v5, v28;
	v8 =	vadd.f32 v11, v8;
	v56 =	vld [tilespmem:$0x1FDC0];
	v29 =	vadd.f32 v29, v33  }
0x134: {  	v11 =	vadd.f32 v31, v34;
	v25 =	vadd.f32 v25, v27;
	v17 =	vmul.f32 v3, v15;
	v15 =	vld [tilespmem:$0x1FE00]  }
0x135: {  	v60 =	vld [tilespmem:$0x1FDD0];
	v26 =	vadd.f32 v26, v32;
	v27 =	vadd.f32 v28, v30  }
0x136: {  	v0 =	vadd.f32 v41, v0;
	v17 =	vadd.f32 v17, v25;
	v25 =	vmul.f32 v3, v22;
	v22 =	vld [tilespmem:$0x1FDE0]  }
0x137: {  	v1 =	vadd.f32 v37, v1;
	v12 =	vmul.f32 v3, v12;
	v28 =	vmul.f32 v3, v13  }
0x138: {  	v9 =	vadd.f32 v40, v9;
	v14 =	vmul.f32 v3, v55;
	v57 =	vmul.f32 v3, v56  }
0x139: {  	v2 =	vadd.f32 v12, v2;
	v10 =	vadd.f32 v28, v10;
	v15 =	vmul.f32 v3, v15  }
0x13a: {  	v13 =	vmul.f32 v3, v60;
	v7 =	vadd.f32 v14, v7;
	v8 =	vadd.f32 v57, v8  }
0x13b: {  	v28 =	vadd.f32 v17, v17;
	v17 =	vld [tilespmem:$0x1FE90];
	v15 =	vadd.f32 v15, v27;
	v27 =	vmul.f32 v3, v22  }
0x13c: {  	v13 =	vadd.f32 v13, v29;
	v11 =	vadd.f32 v25, v11  }
0x13d: {  	v15 =	vadd.f32 v15, v15;
	v27 =	vadd.f32 v27, v26  }
0x13e: {  	v28 =	vsub.f32 v46, v28;
	v11 =	vadd.f32 v11, v11  }
0x13f: {  	v15 =	vsub.f32 v45, v15;
	v27 =	vadd.f32 v27, v27  }
0x140: {  	v13 =	vadd.f32 v13, v13;
	v11 =	vsub.f32 v49, v11;
	v28 =	vmin.f32 v17, v28  }
0x141: {  	v8 =	vadd.f32 v8, v8;
	v15 =	vmin.f32 v28, v15;
	v27 =	vsub.f32 v44, v27  }
0x142: {  	v7 =	vadd.f32 v7, v7;
	v13 =	vsub.f32 v48, v13;
	v11 =	vmin.f32 v15, v11  }
0x143: {  	v10 =	vadd.f32 v10, v10;
	v8 =	vsub.f32 v43, v8;
	v11 =	vmin.f32 v11, v27  }
0x144: {  	v2 =	vadd.f32 v2, v2;
	v7 =	vsub.f32 v47, v7;
	v11 =	vmin.f32 v11, v13  }
0x145: {  	v9 =	vadd.f32 v9, v9;
	v10 =	vsub.f32 v42, v10;
	v8 =	vmin.f32 v11, v8  }
0x146: {  	v0 =	vadd.f32 v0, v0;
	v2 =	vsub.f32 v20, v2;
	v7 =	vmin.f32 v8, v7  }
0x147: {  	v1 =	vadd.f32 v1, v1;
	v8 =	vsub.f32 v16, v9;
	v7 =	vmin.f32 v7, v10  }
0x148: {  	v0 =	vsub.f32 v18, v0;
	v2 =	vmin.f32 v7, v2  }
0x149: {  	v1 =	vsub.f32 v21, v1;
	v2 =	vmin.f32 v2, v8  }
0x14a: {  	v53 =	vadd.f32 v54, v53;
	v0 =	vmin.f32 v2, v0  }
0x14b: {  	v58 =	vadd.f32 v38, v62;
	v0 =	vmin.f32 v0, v1;
	v1 =	vld [tilespmem:$0x1FE60]  }
0x14c: {  	s15 =	sadd.s32 $0x40, s15;
	v59 =	vadd.f32 v35, v53  }
0x14d: {  	s16 =	sand.u32 $0x70, s14;
	s17 =	sand.u32 $0x1E00, s15;
	v7 =	vadd.f32 v58, v58  }
0x14e: {  	s16 =	sor.u32 s16, s17;
	v8 =	vadd.f32 v59, v59  }
0x14f: {  	v61 =	vld [tilespmem:s16+$0x100];
	v2 =	vsub.f32 v19, v7  }
0x150: {  	v62 =	vld [tilespmem:s16+$0x0];
	v1 =	vsub.f32 v1, v8  }
0x151: {  	v50 =	vadd.f32 v51, v50;
	v0 =	vmin.f32 v0, v2;
	v2 =	vld [tilespmem:$0x1FE40]  }
0x152: {  	v30 =	vadd.f32 v39, v52;
	v0 =	vmin.f32 v0, v1;
	v1 =	vld [tilespmem:$0x1FE50]  }
0x153: {  	v31 =	vadd.f32 v36, v50  }
0x154: {  	v7 =	vadd.f32 v30, v30  }
0x155: {  	v63 =	vld [tilespmem:s16+$0x80];
	v8 =	vadd.f32 v31, v31  }
0x156: {  	v2 =	vsub.f32 v2, v7  }
0x157: {  	v32 =	vmul.f32 v62, v62;
	v9 =	vshrl.u32 v61, $0x10;
	v1 =	vsub.f32 v1, v8  }
0x158: {  	v9 =	vand.u32 $0x1, v9;
	v7 =	vshrl.u32 v62, $0x10;
	v0 =	vmin.f32 v0, v2  }
0x159: {  	v2 =	vand.u32 $0x1, v7;
	v7 =	vadd.s32 v9, v61;
	v0 =	vmin.f32 v0, v1  }
0x15a: {  	v8 =	vshrl.u32 v63, $0x10;
	[tilespmem:$0x1FE90] =	vst v0;
	v0 =	vadd.s32 v2, v62;
	v2 =	vadd.s32 $0x7FFF, v7  }
0x15b: {  	v25 =	vmul.f32 v61, v61;
	v1 =	vand.u32 $0x1, v8;
	v2 =	vand.u32 $0xFFFF0000, v2  }
0x15c: {  	v26 =	vmul.f32 v63, v63;
	v1 =	vadd.s32 v1, v63;
	v35 =	vbroadcast v2, $0xF  }
0x15d: {  	v0 =	vadd.s32 $0x7FFF, v0;
	v37 =	vbroadcast v2, $0xD;
	v9 =	vbroadcast v2, $0xE  }
0x15e: {  	v1 =	vadd.s32 $0x7FFF, v1;
	v41 =	vbroadcast v2, $0xC;
	v53 =	vbroadcast v2, $0xB  }
0x15f: {  	v0 =	vand.u32 $0xFFFF0000, v0;
	v7 =	vbroadcast v2, $0xA;
	v40 =	vbroadcast v2, $0x9  }
0x160: {  	v1 =	vand.u32 $0xFFFF0000, v1;
	v8 =	vbroadcast v2, $0x3;
	v10 =	vbroadcast v2, $0x2  }
0x161: {  	v50 =	vbroadcast v0, $0xF;
	v38 =	vbroadcast v1, $0xF  }
0x162: {  	v52 =	vbroadcast v0, $0xE;
	v54 =	vbroadcast v1, $0xE  }
0x163: {  	v56 =	vbroadcast v0, $0xD;
	v62 =	vbroadcast v1, $0xD  }
0x164: {  	v57 =	vbroadcast v1, $0xC;
	v58 =	vbroadcast v0, $0xB  }
0x165: {  	v59 =	vbroadcast v1, $0xB;
	v60 =	vbroadcast v0, $0xA  }
0x166: {  	v61 =	vbroadcast v1, $0xA;
	v63 =	vbroadcast v0, $0x9  }
0x167: {  	v12 =	vbroadcast v1, $0x9;
	v13 =	vbroadcast v0, $0x8  }
0x168: {  	v14 =	vbroadcast v1, $0x8;
	v15 =	vbroadcast v0, $0x7  }
0x169: {  	v17 =	vbroadcast v1, $0x7;
	v11 =	vbroadcast v0, $0x5  }
0x16a: {  	v16 =	vbroadcast v1, $0x5;
	v33 =	vbroadcast v0, $0x4  }
0x16b: {  	v27 =	vadd.f32 v26, v32;
	v29 =	vbroadcast v1, $0x4;
	v32 =	vbroadcast v0, $0x3  }
0x16c: {  	v26 =	vbroadcast v1, $0x3;
	v34 =	vbroadcast v0, $0x2  }
0x16d: {  	v30 =	vbroadcast v0, $0x1;
	v31 =	vbroadcast v1, $0x2  }
0x16e: {  	v28 =	vbroadcast v1, $0x1;
	v24 =	vbroadcast v1, $0x0;
	[tilespmem:$0x1FD70] =	vst v7  }
0x16f: {  	v7 =	vbroadcast v0, $0xC;
	[tilespmem:$0x1FDE0] =	vst v8;
	v8 =	vbroadcast v1, $0x6  }
0x170: {  	[tilespmem:$0x1FDF0] =	vst v10;
	v10 =	vbroadcast v2, $0x1;
	v36 =	vmul.f32 v3, v35  }
0x171: {  	v35 =	vmul.f32 v3, v37;
	v39 =	vmul.f32 v3, v9  }
0x172: {  	v37 =	vmul.f32 v3, v53;
	[tilespmem:$0x1FD80] =	vst v7;
	v7 =	vbroadcast v2, $0x8  }
0x173: {  	v40 =	vmul.f32 v3, v40;
	v50 =	vmul.f32 v4, v50  }
0x174: {  	v51 =	vmul.f32 v5, v38;
	[tilespmem:$0x1FD90] =	vst v7;
	v7 =	vbroadcast v2, $0x7  }
0x175: {  	v38 =	vmul.f32 v3, v41;
	v52 =	vmul.f32 v4, v52  }
0x176: {  	v55 =	vmul.f32 v5, v54;
	[tilespmem:$0x1FDA0] =	vst v7;
	v7 =	vbroadcast v2, $0x6  }
0x177: {  	v53 =	vmul.f32 v4, v56;
	v54 =	vmul.f32 v5, v62  }
0x178: {  	v62 =	vmul.f32 v5, v57;
	[tilespmem:$0x1FDB0] =	vst v7;
	v7 =	vbroadcast v2, $0x5  }
0x179: {  	v57 =	vmul.f32 v4, v58;
	v58 =	vmul.f32 v5, v59  }
0x17a: {  	[tilespmem:$0x1FDC0] =	vst v7;
	v7 =	vbroadcast v2, $0x4;
	v2 =	vbroadcast v2, $0x0  }
0x17b: {  	v1 =	vmul.f32 v5, v61;
	v59 =	vmul.f32 v4, v63  }
0x17c: {  	v61 =	vmul.f32 v5, v12;
	v9 =	vmul.f32 v5, v14;
	[tilespmem:$0x1FE10] =	vst v2;
	v2 =	vadd.f32 v25, v27  }
0x17d: {  	v63 =	vmul.f32 v5, v17;
	[tilespmem:$0x1FDD0] =	vst v7;
	v7 =	vbroadcast v0, $0x6  }
0x17e: {  	[tilespmem:$0x1FE00] =	vst v10;
	v27 =	vbroadcast v0, $0x0;
	v10 =	vbroadcast v2, $0xF  }
0x17f: {  	v18 =	vbroadcast v2, $0xD;
	v19 =	vbroadcast v2, $0xE  }
0x180: {  	v0 =	vld [tilespmem:$0x1FD70];
	v20 =	vbroadcast v2, $0xB;
	v21 =	vbroadcast v2, $0xC  }
0x181: {  	v22 =	vbroadcast v2, $0x9;
	v25 =	vbroadcast v2, $0xA  }
0x182: {  	v42 =	vbroadcast v2, $0x7;
	v23 =	vbroadcast v2, $0x8  }
0x183: {  	v43 =	vbroadcast v2, $0x5;
	v47 =	vbroadcast v2, $0x6  }
0x184: {  	v44 =	vbroadcast v2, $0x3;
	v48 =	vbroadcast v2, $0x4  }
0x185: {  	v45 =	vbroadcast v2, $0x1;
	v10 =	vadd.f32 v10, v6;
	v41 =	vmul.f32 v3, v0;
	v0 =	vld [tilespmem:$0x1FD80]  }
0x186: {  	p0 =	sne.s32 s14, $0x7F0;
	v49 =	vbroadcast v2, $0x2;
	v46 =	vbroadcast v2, $0x0  }
.Ltmp2:
0x187: {  	v2 =	vmul.f32 v4, v13;
	[tilespmem:$0x1FE50] =	vst v10;
	v10 =	vmul.f32 v5, v8;
	v8 =	vadd.f32 v18, v6;
	(pc) =	sbr.rel @p0 .LBB2_8-.Ltmp2, $4  }
0x188: {  	v7 =	vmul.f32 v4, v7;
	v12 =	vadd.f32 v19, v6;
	v19 =	vadd.f32 v21, v6  }
0x189: {  	v21 =	vadd.f32 v20, v6;
	v20 =	vadd.f32 v23, v6;
	[tilespmem:$0x1FE60] =	vst v8;
	v8 =	vmul.f32 v4, v11  }
0x18a: {  	v18 =	vadd.f32 v25, v6;
	v11 =	vmul.f32 v5, v16;
	v56 =	vmul.f32 v4, v0  }
0x18b: {  	s14 =	sadd.s32 $0x10, s14;
	[tilespmem:$0x1FE40] =	vst v12;
	v16 =	vadd.f32 v22, v6;
	v0 =	vmul.f32 v4, v60;
	v60 =	vmul.f32 v4, v15  }
0x18c: {  	v12 =	vadd.f32 v47, v6  }
0x18d: {  	v13 =	vadd.f32 v42, v6;
	v14 =	vadd.f32 v48, v6  }
0x18e: {  	v15 =	vadd.f32 v43, v6;
	v17 =	vadd.f32 v49, v6  }
0x18f: {  	v22 =	vadd.f32 v44, v6;
	v23 =	vadd.f32 v46, v6  }
0x190: {  	v6 =	vadd.f32 v45, v6;
	v25 =	vadd.f32 v55, v52  }
0x191: {  	v50 =	vadd.f32 v51, v50;
	v51 =	vadd.f32 v62, v56  }
0x192: {  	v52 =	vadd.f32 v54, v53;
	v2 =	vadd.f32 v9, v2  }
0x193: {  	v53 =	vmul.f32 v4, v32;
	v54 =	vmul.f32 v4, v34;
	v55 =	vadd.f32 v61, v59  }
0x194: {  	v30 =	vmul.f32 v4, v30;
	v7 =	vadd.f32 v10, v7;
	v26 =	vmul.f32 v5, v26;
	v43 =	vld [tilespmem:$0x1FDA0]  }
0x195: {  	v59 =	vmul.f32 v5, v31;
	v8 =	vadd.f32 v11, v8;
	v44 =	vld [tilespmem:$0x1FDC0];
	v0 =	vadd.f32 v1, v0  }
0x196: {  	v28 =	vmul.f32 v5, v28;
	v45 =	vld [tilespmem:$0x1FE10];
	v1 =	vadd.f32 v58, v57;
	v58 =	vadd.f32 v63, v60  }
0x197: {  	v33 =	vmul.f32 v4, v33;
	v61 =	vadd.f32 v59, v54;
	v0 =	vadd.f32 v41, v0;
	v41 =	vld [tilespmem:$0x1FDB0]  }
0x198: {  	v47 =	vld [tilespmem:$0x1FE00];
	v57 =	vmul.f32 v5, v29;
	v9 =	vadd.f32 v26, v53;
	v62 =	vadd.f32 v28, v30  }
0x199: {  	v60 =	vmul.f32 v5, v24;
	v24 =	vadd.f32 v39, v25;
	v63 =	vadd.f32 v36, v50;
	v39 =	vld [tilespmem:$0x1FD90]  }
0x19a: {  	v56 =	vmul.f32 v4, v27;
	v46 =	vld [tilespmem:$0x1FDD0];
	v36 =	vadd.f32 v38, v51;
	v38 =	vadd.f32 v35, v52  }
0x19b: {  	v48 =	vld [tilespmem:$0x1FDF0];
	v42 =	vadd.f32 v40, v55;
	v10 =	vadd.f32 v57, v33  }
0x19c: {  	v49 =	vld [tilespmem:$0x1FDE0];
	v4 =	vadd.f32 v60, v56;
	v31 =	vmul.f32 v3, v43;
	v30 =	vmul.f32 v3, v41  }
0x19d: {  	v1 =	vadd.f32 v37, v1;
	v32 =	vmul.f32 v3, v45;
	v33 =	vmul.f32 v3, v47  }
0x19e: {  	v29 =	vmul.f32 v3, v39;
	v7 =	vadd.f32 v30, v7;
	v30 =	vmul.f32 v3, v44  }
0x19f: {  	v27 =	vadd.f32 v31, v58;
	v31 =	vmul.f32 v3, v46;
	v4 =	vadd.f32 v32, v4  }
0x1a0: {  	v5 =	vadd.f32 v33, v62;
	v8 =	vadd.f32 v30, v8;
	v30 =	vmul.f32 v3, v48  }
0x1a1: {  	v51 =	vld [tilespmem:$0x1FE90];
	v2 =	vadd.f32 v29, v2;
	v10 =	vadd.f32 v31, v10;
	v3 =	vmul.f32 v3, v49  }
0x1a2: {  	v4 =	vadd.f32 v4, v4;
	v11 =	vadd.f32 v30, v61  }
0x1a3: {  	v5 =	vadd.f32 v5, v5;
	v3 =	vadd.f32 v3, v9  }
0x1a4: {  	v4 =	vsub.f32 v23, v4;
	v50 =	vadd.f32 v11, v11  }
0x1a5: {  	v5 =	vsub.f32 v6, v5;
	v3 =	vadd.f32 v3, v3  }
0x1a6: {  	v53 =	vadd.f32 v10, v10;
	v4 =	vmin.f32 v51, v4;
	v52 =	vsub.f32 v17, v50  }
0x1a7: {  	v4 =	vmin.f32 v4, v5;
	v54 =	vadd.f32 v8, v8;
	v3 =	vsub.f32 v22, v3  }
0x1a8: {  	v7 =	vadd.f32 v7, v7;
	v55 =	vsub.f32 v14, v53;
	v4 =	vmin.f32 v4, v52  }
0x1a9: {  	v57 =	vadd.f32 v27, v27;
	v56 =	vsub.f32 v15, v54;
	v3 =	vmin.f32 v4, v3  }
0x1aa: {  	v2 =	vadd.f32 v2, v2;
	v58 =	vsub.f32 v12, v7;
	v3 =	vmin.f32 v3, v55  }
0x1ab: {  	v60 =	vadd.f32 v42, v42;
	v59 =	vsub.f32 v13, v57;
	v3 =	vmin.f32 v3, v56  }
0x1ac: {  	v0 =	vadd.f32 v0, v0;
	v2 =	vsub.f32 v20, v2;
	v3 =	vmin.f32 v3, v58  }
0x1ad: {  	v1 =	vadd.f32 v1, v1;
	v61 =	vsub.f32 v16, v60;
	v3 =	vmin.f32 v3, v59  }
0x1ae: {  	v0 =	vsub.f32 v18, v0;
	v2 =	vmin.f32 v3, v2  }
0x1af: {  	v1 =	vsub.f32 v21, v1;
	v2 =	vmin.f32 v2, v61  }
0x1b0: {  	v0 =	vmin.f32 v2, v0  }
0x1b1: {  	v0 =	vmin.f32 v0, v1;
	v1 =	vld [tilespmem:$0x1FE60];
	_ =	sdelay $0x1  }
0x1b2: {  	v3 =	vadd.f32 v36, v36  }
0x1b3: {  	v62 =	vadd.f32 v38, v38  }
0x1b4: {  	v2 =	vsub.f32 v19, v3  }
0x1b5: {  	v1 =	vsub.f32 v1, v62  }
0x1b6: {  	v0 =	vmin.f32 v0, v2;
	v2 =	vld [tilespmem:$0x1FE40]  }
0x1b7: {  	v0 =	vmin.f32 v0, v1;
	v1 =	vld [tilespmem:$0x1FE50];
	_ =	sdelay $0x1  }
0x1b8: {  	v3 =	vadd.f32 v24, v24  }
0x1b9: {  	v63 =	vadd.f32 v63, v63  }
0x1ba: {  	v2 =	vsub.f32 v2, v3  }
0x1bb: {  	v1 =	vsub.f32 v1, v63  }
0x1bc: {  	s12 =	sadd.s32 $0x1, s12;
	v0 =	vmin.f32 v0, v2  }
0x1bd: {  	p0 =	sne.s32 s12, $0x4;
	v0 =	vmin.f32 v0, v1;
	v1 =	vld [tilespmem:$0x1FEC0]  }
.Ltmp3:
0x1be: {  	_ = 	snop;
	(pc) =	sbr.rel @p0 .LBB2_7-.Ltmp3, $3  }
0x1bf: {  	_ =	sdelay $0x1  }
0x1c0: {  	v0 =	vmax.f32 v0, $0.0e+00  }
0x1c1: {  	v0 =	vadd.f32 v0, v1  }
0x1c2: {  	s11 =	sadd.s32 $0x1, s11  }
0x1c3: {  	p0 =	sne.s32 s11, $0x4  }
.Ltmp4:
0x1c4: {  	_ = 	snop;
	(pc) =	sbr.rel @p0 .LBB2_2-.Ltmp4, $1  }
0x1c5: {  	_ =	sdelay $0x3  }
0x1c6: {  	s10 =	sadd.s32 $0x1, s10  }
0x1c7: {  	p0 =	sne.s32 s10, s6  }
.Ltmp5:
0x1c8: {  	[tilespmem:$0x4000] =	vst v0;
	(pc) =	sbr.rel @p0 .LBB2_1-.Ltmp5, $4  }
0x1c9: {  	[hbm4b:s5+s2] =	stream.linear.scatter [tilespmem:s9], [sflag:$0x1], $0x80, $0x38;
	[tilespmem:$0x4080] =	vst v63  }
0x1ca: {  	_ =	swait.ge [sflag:s7], $0x80  }
0x1cb: {  	[sflag:s7] =	ssyncset.done $0x0  }
0x1cc: {  	[sflag:s7] =	ssyncadd.s32 $0xFFFFFF80  }
0x1cd: {  	_ =	sfence.sel $0x180000  }
0x1ce: {  	[bflag:$0x0] =	sbarrier.arrive $0xFFFF  }
0x1cf: {  	p0 =	sne.s32 s1, $0x0;
	_ =	strace $0x90000047  }
0x1d0: {  	s0 =	sadd.s32 @!p0 $0x100000, s0;
	[bflag:$0x2] =	sbarrier.arrive $0xFFFF  }
0x1d1: {  	[sflag:s0] =	ssyncadd.tile.s32 @!p0 $0x1;
	_ =	shalt  }
.Lfunc_end2:
_tile_overlayer_lowered:
.L_overlay_start_2:
0x1d2: {  	(tag) =	ssettag $0x2  }
0x1d3: {  	s0 =	rddreg [dreg:$0x0];
	s2 =	stileid.u32  }
0x1d4: {  	s1 =	rddreg [dreg:$0x1];
	p0 =	sne.s32 s2, $0x0  }
0x1d5: {  	s3 =	rddreg [dreg:$0x2];
	[bflag:$0x3] =	sbarrier.arrive $0xFFFF;
	s2 =	simm.s32 @!p0 $0x1C02  }
0x1d6: {  	[timem:s3], [sflag:s2] =	dma.local @!p0 [hbm:s0], s1  }
0x1d7: {  	s0 =	simm.s32 @!p0 $0x2  }
0x1d8: {  	_ =	swait.ge @!p0 [sflag:s0], s1  }
0x1d9: {  	s1 =	ssub.s32 @!p0 $0x0, s1;
	[sflag:s0] =	ssyncset.done @!p0 $0x0  }
0x1da: {  	[sflag:s0] =	ssyncadd.s32 @!p0 s1  }
0x1db: {  	[bflag:$0x3] =	sbarrier.arrive $0xFFFF  }
0x1dc: {  	_ =	shalt  }

</sc_bundles>
